<compile_context>
chip_gen: v7x
topology: tpu7x:2x2x1
jax: 0.10.2.dev20260603
libtpu: 0.0.44.dev20260713+nightly
codegen_flags: <defaults>
</compile_context>

<pallas_src>
import functools

import jax
import jax.numpy as jnp
from jax import lax
from jax.experimental import pallas as pl
from jax.experimental.pallas import tpu as pltpu
from jax.experimental.pallas import tpu_sc as plsc

EMB_DIM = 32
BATCH = 16384
LANE = 128

_info = plsc.get_sparse_core_info()
NC, NS, L = _info.num_cores, _info.num_subcores, _info.num_lanes
NW = NC * NS
B_PER_W = BATCH // NW
BURST = 8
N_VECS = B_PER_W // L


def _body(user_hbm, item_hbm, tu_hbm, tv_hbm, out_hbm,
          idx_u, idx_i, out_v, *rest):
    u_bufs = rest[:BURST]
    v_bufs = rest[BURST:2 * BURST]
    sem = rest[2 * BURST]

    wid = lax.axis_index("s") * NC + lax.axis_index("c")
    base = wid * B_PER_W

    pltpu.sync_copy(user_hbm.at[pl.ds(base, B_PER_W)], idx_u)
    pltpu.sync_copy(item_hbm.at[pl.ds(base, B_PER_W)], idx_i)

    lanes = lax.iota(jnp.int32, L)
    d_lo = lax.iota(jnp.int32, L)
    d_hi = d_lo + L

    def vec_step(k, carry):
        k0 = pl.multiple_of(k * L, L)
        iu_vec = idx_u[pl.ds(k0, L)]
        ii_vec = idx_i[pl.ds(k0, L)]
        r = jnp.zeros((L,), jnp.float32)
        for half in range(2):
            handles = []
            for t in range(BURST):
                iu = iu_vec[half * BURST + t]
                ii = ii_vec[half * BURST + t]
                cu = pl.multiple_of(
                    lax.shift_left(lax.shift_right_logical(iu, 7), 7), LANE)
                ci = pl.multiple_of(
                    lax.shift_left(lax.shift_right_logical(ii, 7), 7), LANE)
                handles.append(pltpu.async_copy(
                    tu_hbm.at[:, pl.ds(cu, LANE)], u_bufs[t], sem))
                handles.append(pltpu.async_copy(
                    tv_hbm.at[:, pl.ds(ci, LANE)], v_bufs[t], sem))
            for h in handles:
                h.wait()
            for t in range(BURST):
                iu = iu_vec[half * BURST + t]
                ii = ii_vec[half * BURST + t]
                lu = jnp.full((L,), lax.bitwise_and(iu, LANE - 1), jnp.int32)
                li = jnp.full((L,), lax.bitwise_and(ii, LANE - 1), jnp.int32)
                u0 = plsc.load_gather(u_bufs[t], [d_lo, lu])
                u1 = plsc.load_gather(u_bufs[t], [d_hi, lu])
                v0 = plsc.load_gather(v_bufs[t], [d_lo, li])
                v1 = plsc.load_gather(v_bufs[t], [d_hi, li])
                s = jnp.sum(u0 * v0 + u1 * v1)
                r = jnp.where(lanes == half * BURST + t, s, r)
        out_v[pl.ds(k0, L)] = r
        return carry

    lax.fori_loop(0, N_VECS, vec_step, 0)

    pltpu.sync_copy(out_v, out_hbm.at[pl.ds(base, B_PER_W)])


@jax.jit
def _run(user, item, tu, tv):
    mesh = plsc.VectorSubcoreMesh(core_axis_name="c", subcore_axis_name="s")
    f = functools.partial(
        pl.kernel, mesh=mesh,
        out_type=jax.ShapeDtypeStruct((BATCH,), jnp.float32),
        compiler_params=pltpu.CompilerParams(needs_layout_passes=False),
        scratch_types=[
            pltpu.VMEM((B_PER_W,), jnp.int32),
            pltpu.VMEM((B_PER_W,), jnp.int32),
            pltpu.VMEM((B_PER_W,), jnp.float32),
        ] + [pltpu.VMEM((EMB_DIM, LANE), jnp.float32) for _ in range(2 * BURST)]
        + [pltpu.SemaphoreType.DMA],
    )(_body)
    return f(user, item, tu, tv)


def kernel(user, item, user_emb, item_emb):
    return _run(user.astype(jnp.int32), item.astype(jnp.int32),
                user_emb.T, item_emb.T)

# --- scband reference (transcript-rebuilt; emitter-appended) ---
"""Pipeline reference for scband-cfmodel-83511344103425 (READ-ONLY COPY).

The authoritative reference and input builder live on the scoring server;
editing this copy changes nothing except your own understanding.
"""

import jax, jax.numpy as jnp
import numpy as np

N_USERS = 1000000
N_ITEMS = 100000
EMB_DIM = 32
BATCH = 16384

def setup_inputs(seed: int = 0) -> dict:
    key = jax.random.key(seed)
    k1, k2, k3, k4 = jax.random.split(key, 4)
    user = jax.random.randint(k1, (BATCH,), 0, N_USERS, dtype=jnp.int64 if jax.config.jax_enable_x64 else jnp.int32)
    item = jax.random.randint(k2, (BATCH,), 0, N_ITEMS, dtype=jnp.int64 if jax.config.jax_enable_x64 else jnp.int32)
    user_emb = jax.random.normal(k3, (N_USERS, EMB_DIM), dtype=jnp.float32)
    item_emb = jax.random.normal(k4, (N_ITEMS, EMB_DIM), dtype=jnp.float32)
    return {"user": user, "item": item, "user_emb": user_emb, "item_emb": item_emb}

def reference(user, item, user_emb, item_emb):
    # CFModel.forward: (user_emb(user) * item_emb(item)).sum(1)
    u = jnp.take(user_emb, user, axis=0)
    v = jnp.take(item_emb, item, axis=0)
    return (u * v).sum(1)

if __name__ == "__main__":
    import jax
    _d = setup_inputs()
    print(jax.jit(kernel)(*tuple(_d.values())))

</pallas_src>

<mosaic_0001>
#map = affine_map<(d0, d1) -> (0)>
#map1 = affine_map<(d0, d1) -> (0, 0)>
module attributes {stable_mosaic.version = 14 : i64} {
  func.func @_body(%arg0: i32, %arg1: i32, %arg2: memref<16384xi32, #tpu.memory_space<hbm>>, %arg3: memref<16384xi32, #tpu.memory_space<hbm>>, %arg4: memref<32x1000000xf32, #tpu.memory_space<hbm>>, %arg5: memref<32x100000xf32, #tpu.memory_space<hbm>>, %arg6: memref<16384xf32, #tpu.memory_space<hbm>>, %arg7: memref<512xi32, #tpu.memory_space<vmem>>, %arg8: memref<512xi32, #tpu.memory_space<vmem>>, %arg9: memref<512xf32, #tpu.memory_space<vmem>>, %arg10: memref<32x128xf32, #tpu.memory_space<vmem>>, %arg11: memref<32x128xf32, #tpu.memory_space<vmem>>, %arg12: memref<32x128xf32, #tpu.memory_space<vmem>>, %arg13: memref<32x128xf32, #tpu.memory_space<vmem>>, %arg14: memref<32x128xf32, #tpu.memory_space<vmem>>, %arg15: memref<32x128xf32, #tpu.memory_space<vmem>>, %arg16: memref<32x128xf32, #tpu.memory_space<vmem>>, %arg17: memref<32x128xf32, #tpu.memory_space<vmem>>, %arg18: memref<32x128xf32, #tpu.memory_space<vmem>>, %arg19: memref<32x128xf32, #tpu.memory_space<vmem>>, %arg20: memref<32x128xf32, #tpu.memory_space<vmem>>, %arg21: memref<32x128xf32, #tpu.memory_space<vmem>>, %arg22: memref<32x128xf32, #tpu.memory_space<vmem>>, %arg23: memref<32x128xf32, #tpu.memory_space<vmem>>, %arg24: memref<32x128xf32, #tpu.memory_space<vmem>>, %arg25: memref<32x128xf32, #tpu.memory_space<vmem>>, %arg26: memref<!tpu.dma_semaphore, #tpu.memory_space<semaphore_mem>>) attributes {dimension_semantics = [#tpu.dimension_semantics<core_parallel>, #tpu.dimension_semantics<subcore_parallel>], iteration_bounds = array<i64: 2, 16>, scalar_prefetch = 0 : i64, scratch_operands = 20 : i64, tpu.core_type = #tpu.core_type<sc_vector_subcore>, window_params = [{transform_indices = #map}, {transform_indices = #map}, {transform_indices = #map1}, {transform_indices = #map1}, {transform_indices = #map}]} {
    %mul3A = arith.constant 2 : i32
    %mul3A_0 = arith.muli %arg1, %mul3A : i32
    %add3A = arith.addi %mul3A_0, %arg0 : i32
    %mul3A_1 = arith.constant 512 : i32
    %mul3A_2 = arith.muli %add3A, %mul3A_1 : i32
    "tpu.region"() ({
      %run_scoped3A = tpu.sem_alloc : memref<!tpu.dma_semaphore, #tpu.memory_space<semaphore_mem>>
      %dma_start3A = tpu.memref_slice %arg2[%mul3A_2] : memref<16384xi32, #tpu.memory_space<hbm>> -> memref<512xi32, #tpu.memory_space<hbm>>
      %dma_start3A_12 = tpu.memref_slice %arg2[%mul3A_2] : memref<16384xi32, #tpu.memory_space<hbm>> -> memref<512xi32, #tpu.memory_space<hbm>>
      tpu.enqueue_dma source(%dma_start3A_12 : memref<512xi32, #tpu.memory_space<hbm>>) target(%arg7 : memref<512xi32, #tpu.memory_space<vmem>>) target_semaphore(%run_scoped3A : memref<!tpu.dma_semaphore, #tpu.memory_space<semaphore_mem>>)
      %dma_wait3A = tpu.memref_slice %arg2[%mul3A_2] : memref<16384xi32, #tpu.memory_space<hbm>> -> memref<512xi32, #tpu.memory_space<hbm>>
      %dma_wait3A_13 = tpu.memref_slice %arg2[%mul3A_2] : memref<16384xi32, #tpu.memory_space<hbm>> -> memref<512xi32, #tpu.memory_space<hbm>>
      tpu.wait_dma2 semaphore(%run_scoped3A : memref<!tpu.dma_semaphore, #tpu.memory_space<semaphore_mem>>) src(%dma_wait3A_13 : memref<512xi32, #tpu.memory_space<hbm>>) dst(%arg7 : memref<512xi32, #tpu.memory_space<vmem>>)
      tpu.yield
    }) : () -> ()
    "tpu.region"() ({
      %run_scoped3A = tpu.sem_alloc : memref<!tpu.dma_semaphore, #tpu.memory_space<semaphore_mem>>
      %dma_start3A = tpu.memref_slice %arg3[%mul3A_2] : memref<16384xi32, #tpu.memory_space<hbm>> -> memref<512xi32, #tpu.memory_space<hbm>>
      %dma_start3A_12 = tpu.memref_slice %arg3[%mul3A_2] : memref<16384xi32, #tpu.memory_space<hbm>> -> memref<512xi32, #tpu.memory_space<hbm>>
      tpu.enqueue_dma source(%dma_start3A_12 : memref<512xi32, #tpu.memory_space<hbm>>) target(%arg8 : memref<512xi32, #tpu.memory_space<vmem>>) target_semaphore(%run_scoped3A : memref<!tpu.dma_semaphore, #tpu.memory_space<semaphore_mem>>)
      %dma_wait3A = tpu.memref_slice %arg3[%mul3A_2] : memref<16384xi32, #tpu.memory_space<hbm>> -> memref<512xi32, #tpu.memory_space<hbm>>
      %dma_wait3A_13 = tpu.memref_slice %arg3[%mul3A_2] : memref<16384xi32, #tpu.memory_space<hbm>> -> memref<512xi32, #tpu.memory_space<hbm>>
      tpu.wait_dma2 semaphore(%run_scoped3A : memref<!tpu.dma_semaphore, #tpu.memory_space<semaphore_mem>>) src(%dma_wait3A_13 : memref<512xi32, #tpu.memory_space<hbm>>) dst(%arg8 : memref<512xi32, #tpu.memory_space<vmem>>)
      tpu.yield
    }) : () -> ()
    %iota3A = tpu.iota {dimensions = array<i32: 0>} : vector<16xi32>
    %iota3A_3 = tpu.iota {dimensions = array<i32: 0>} : vector<16xi32>
    %add3A_4 = arith.constant 16 : i32
    %add3A_5 = vector.broadcast %add3A_4 : i32 to vector<16xi32>
    %add3A_6 = arith.addi %iota3A_3, %add3A_5 : vector<16xi32>
    %scan3A = arith.constant 0 : i32
    %scan3A_7 = arith.constant 0 : i32
    %scan3A_8 = arith.constant 32 : i32
    %scan3A_9 = arith.addi %scan3A_7, %scan3A_8 : i32
    %scan3A_10 = arith.constant 1 : i32
    scf.for %scan3A_12 = %scan3A_7 to %scan3A_9 step %scan3A_10  : i32 {
      %mul3A_13 = arith.constant 16 : i32
      %mul3A_14 = arith.muli %scan3A_12, %mul3A_13 : i32
      %multiple_of3A = tpu.assume_multiple %mul3A_14, 16 : i32
      %get3A = arith.index_cast %multiple_of3A : i32 to index
      %get3A_15 = tpu.vector_load %arg7[%get3A] {strides = array<i32>} : memref<512xi32, #tpu.memory_space<vmem>>, vector<16xi32>,
      %get3A_16 = arith.index_cast %multiple_of3A : i32 to index
      %get3A_17 = tpu.vector_load %arg8[%get3A_16] {strides = array<i32>} : memref<512xi32, #tpu.memory_space<vmem>>, vector<16xi32>,
      %broadcast_in_dim3A = arith.constant 0.000000e+00 : f32
      %broadcast_in_dim3A_18 = vector.broadcast %broadcast_in_dim3A : f32 to vector<16xf32>
      %slice3A = vector.extract_strided_slice %get3A_15 {offsets = [0], sizes = [1], strides = [1]} : vector<16xi32> to vector<1xi32>
      %squeeze3A = vector.extract %slice3A[0] : i32 from vector<1xi32>
      %slice3A_19 = vector.extract_strided_slice %get3A_17 {offsets = [0], sizes = [1], strides = [1]} : vector<16xi32> to vector<1xi32>
      %squeeze3A_20 = vector.extract %slice3A_19[0] : i32 from vector<1xi32>
      %shift_right_logical3A = arith.constant 7 : i32
      %shift_right_logical3A_21 = arith.shrui %squeeze3A, %shift_right_logical3A : i32
      %shift_left3A = arith.constant 7 : i32
      %shift_left3A_22 = arith.shli %shift_right_logical3A_21, %shift_left3A : i32
      %multiple_of3A_23 = tpu.assume_multiple %shift_left3A_22, 128 : i32
      %shift_right_logical3A_24 = arith.constant 7 : i32
      %shift_right_logical3A_25 = arith.shrui %squeeze3A_20, %shift_right_logical3A_24 : i32
      %shift_left3A_26 = arith.constant 7 : i32
      %shift_left3A_27 = arith.shli %shift_right_logical3A_25, %shift_left3A_26 : i32
      %multiple_of3A_28 = tpu.assume_multiple %shift_left3A_27, 128 : i32
      %dma_start3A = arith.constant 0 : i32
      %dma_start3A_29 = tpu.memref_slice %arg4[%dma_start3A, %multiple_of3A_23] : memref<32x1000000xf32, #tpu.memory_space<hbm>> -> memref<32x128xf32, #tpu.memory_space<hbm>>
      %dma_start3A_30 = arith.constant 0 : i32
      %dma_start3A_31 = tpu.memref_slice %arg4[%dma_start3A_30, %multiple_of3A_23] : memref<32x1000000xf32, #tpu.memory_space<hbm>> -> memref<32x128xf32, #tpu.memory_space<hbm>>
      tpu.enqueue_dma source(%dma_start3A_31 : memref<32x128xf32, #tpu.memory_space<hbm>>) target(%arg10 : memref<32x128xf32, #tpu.memory_space<vmem>>) target_semaphore(%arg26 : memref<!tpu.dma_semaphore, #tpu.memory_space<semaphore_mem>>)
      %dma_start3A_32 = arith.constant 0 : i32
      %dma_start3A_33 = tpu.memref_slice %arg5[%dma_start3A_32, %multiple_of3A_28] : memref<32x100000xf32, #tpu.memory_space<hbm>> -> memref<32x128xf32, #tpu.memory_space<hbm>>
      %dma_start3A_34 = arith.constant 0 : i32
      %dma_start3A_35 = tpu.memref_slice %arg5[%dma_start3A_34, %multiple_of3A_28] : memref<32x100000xf32, #tpu.memory_space<hbm>> -> memref<32x128xf32, #tpu.memory_space<hbm>>
      tpu.enqueue_dma source(%dma_start3A_35 : memref<32x128xf32, #tpu.memory_space<hbm>>) target(%arg18 : memref<32x128xf32, #tpu.memory_space<vmem>>) target_semaphore(%arg26 : memref<!tpu.dma_semaphore, #tpu.memory_space<semaphore_mem>>)
      %slice3A_36 = vector.extract_strided_slice %get3A_15 {offsets = [1], sizes = [1], strides = [1]} : vector<16xi32> to vector<1xi32>
      %squeeze3A_37 = vector.extract %slice3A_36[0] : i32 from vector<1xi32>
      %slice3A_38 = vector.extract_strided_slice %get3A_17 {offsets = [1], sizes = [1], strides = [1]} : vector<16xi32> to vector<1xi32>
      %squeeze3A_39 = vector.extract %slice3A_38[0] : i32 from vector<1xi32>
      %shift_right_logical3A_40 = arith.constant 7 : i32
      %shift_right_logical3A_41 = arith.shrui %squeeze3A_37, %shift_right_logical3A_40 : i32
      %shift_left3A_42 = arith.constant 7 : i32
      %shift_left3A_43 = arith.shli %shift_right_logical3A_41, %shift_left3A_42 : i32
      %multiple_of3A_44 = tpu.assume_multiple %shift_left3A_43, 128 : i32
      %shift_right_logical3A_45 = arith.constant 7 : i32
      %shift_right_logical3A_46 = arith.shrui %squeeze3A_39, %shift_right_logical3A_45 : i32
      %shift_left3A_47 = arith.constant 7 : i32
      %shift_left3A_48 = arith.shli %shift_right_logical3A_46, %shift_left3A_47 : i32
      %multiple_of3A_49 = tpu.assume_multiple %shift_left3A_48, 128 : i32
      %dma_start3A_50 = arith.constant 0 : i32
      %dma_start3A_51 = tpu.memref_slice %arg4[%dma_start3A_50, %multiple_of3A_44] : memref<32x1000000xf32, #tpu.memory_space<hbm>> -> memref<32x128xf32, #tpu.memory_space<hbm>>
      %dma_start3A_52 = arith.constant 0 : i32
      %dma_start3A_53 = tpu.memref_slice %arg4[%dma_start3A_52, %multiple_of3A_44] : memref<32x1000000xf32, #tpu.memory_space<hbm>> -> memref<32x128xf32, #tpu.memory_space<hbm>>
      tpu.enqueue_dma source(%dma_start3A_53 : memref<32x128xf32, #tpu.memory_space<hbm>>) target(%arg11 : memref<32x128xf32, #tpu.memory_space<vmem>>) target_semaphore(%arg26 : memref<!tpu.dma_semaphore, #tpu.memory_space<semaphore_mem>>)
      %dma_start3A_54 = arith.constant 0 : i32
      %dma_start3A_55 = tpu.memref_slice %arg5[%dma_start3A_54, %multiple_of3A_49] : memref<32x100000xf32, #tpu.memory_space<hbm>> -> memref<32x128xf32, #tpu.memory_space<hbm>>
      %dma_start3A_56 = arith.constant 0 : i32
      %dma_start3A_57 = tpu.memref_slice %arg5[%dma_start3A_56, %multiple_of3A_49] : memref<32x100000xf32, #tpu.memory_space<hbm>> -> memref<32x128xf32, #tpu.memory_space<hbm>>
      tpu.enqueue_dma source(%dma_start3A_57 : memref<32x128xf32, #tpu.memory_space<hbm>>) target(%arg19 : memref<32x128xf32, #tpu.memory_space<vmem>>) target_semaphore(%arg26 : memref<!tpu.dma_semaphore, #tpu.memory_space<semaphore_mem>>)
      %slice3A_58 = vector.extract_strided_slice %get3A_15 {offsets = [2], sizes = [1], strides = [1]} : vector<16xi32> to vector<1xi32>
      %squeeze3A_59 = vector.extract %slice3A_58[0] : i32 from vector<1xi32>
      %slice3A_60 = vector.extract_strided_slice %get3A_17 {offsets = [2], sizes = [1], strides = [1]} : vector<16xi32> to vector<1xi32>
      %squeeze3A_61 = vector.extract %slice3A_60[0] : i32 from vector<1xi32>
      %shift_right_logical3A_62 = arith.constant 7 : i32
      %shift_right_logical3A_63 = arith.shrui %squeeze3A_59, %shift_right_logical3A_62 : i32
      %shift_left3A_64 = arith.constant 7 : i32
      %shift_left3A_65 = arith.shli %shift_right_logical3A_63, %shift_left3A_64 : i32
      %multiple_of3A_66 = tpu.assume_multiple %shift_left3A_65, 128 : i32
      %shift_right_logical3A_67 = arith.constant 7 : i32
      %shift_right_logical3A_68 = arith.shrui %squeeze3A_61, %shift_right_logical3A_67 : i32
      %shift_left3A_69 = arith.constant 7 : i32
      %shift_left3A_70 = arith.shli %shift_right_logical3A_68, %shift_left3A_69 : i32
      %multiple_of3A_71 = tpu.assume_multiple %shift_left3A_70, 128 : i32
      %dma_start3A_72 = arith.constant 0 : i32
      %dma_start3A_73 = tpu.memref_slice %arg4[%dma_start3A_72, %multiple_of3A_66] : memref<32x1000000xf32, #tpu.memory_space<hbm>> -> memref<32x128xf32, #tpu.memory_space<hbm>>
      %dma_start3A_74 = arith.constant 0 : i32
      %dma_start3A_75 = tpu.memref_slice %arg4[%dma_start3A_74, %multiple_of3A_66] : memref<32x1000000xf32, #tpu.memory_space<hbm>> -> memref<32x128xf32, #tpu.memory_space<hbm>>
      tpu.enqueue_dma source(%dma_start3A_75 : memref<32x128xf32, #tpu.memory_space<hbm>>) target(%arg12 : memref<32x128xf32, #tpu.memory_space<vmem>>) target_semaphore(%arg26 : memref<!tpu.dma_semaphore, #tpu.memory_space<semaphore_mem>>)
      %dma_start3A_76 = arith.constant 0 : i32
      %dma_start3A_77 = tpu.memref_slice %arg5[%dma_start3A_76, %multiple_of3A_71] : memref<32x100000xf32, #tpu.memory_space<hbm>> -> memref<32x128xf32, #tpu.memory_space<hbm>>
      %dma_start3A_78 = arith.constant 0 : i32
      %dma_start3A_79 = tpu.memref_slice %arg5[%dma_start3A_78, %multiple_of3A_71] : memref<32x100000xf32, #tpu.memory_space<hbm>> -> memref<32x128xf32, #tpu.memory_space<hbm>>
      tpu.enqueue_dma source(%dma_start3A_79 : memref<32x128xf32, #tpu.memory_space<hbm>>) target(%arg20 : memref<32x128xf32, #tpu.memory_space<vmem>>) target_semaphore(%arg26 : memref<!tpu.dma_semaphore, #tpu.memory_space<semaphore_mem>>)
      %slice3A_80 = vector.extract_strided_slice %get3A_15 {offsets = [3], sizes = [1], strides = [1]} : vector<16xi32> to vector<1xi32>
      %squeeze3A_81 = vector.extract %slice3A_80[0] : i32 from vector<1xi32>
      %slice3A_82 = vector.extract_strided_slice %get3A_17 {offsets = [3], sizes = [1], strides = [1]} : vector<16xi32> to vector<1xi32>
      %squeeze3A_83 = vector.extract %slice3A_82[0] : i32 from vector<1xi32>
      %shift_right_logical3A_84 = arith.constant 7 : i32
      %shift_right_logical3A_85 = arith.shrui %squeeze3A_81, %shift_right_logical3A_84 : i32
      %shift_left3A_86 = arith.constant 7 : i32
      %shift_left3A_87 = arith.shli %shift_right_logical3A_85, %shift_left3A_86 : i32
      %multiple_of3A_88 = tpu.assume_multiple %shift_left3A_87, 128 : i32
      %shift_right_logical3A_89 = arith.constant 7 : i32
      %shift_right_logical3A_90 = arith.shrui %squeeze3A_83, %shift_right_logical3A_89 : i32
      %shift_left3A_91 = arith.constant 7 : i32
      %shift_left3A_92 = arith.shli %shift_right_logical3A_90, %shift_left3A_91 : i32
      %multiple_of3A_93 = tpu.assume_multiple %shift_left3A_92, 128 : i32
      %dma_start3A_94 = arith.constant 0 : i32
      %dma_start3A_95 = tpu.memref_slice %arg4[%dma_start3A_94, %multiple_of3A_88] : memref<32x1000000xf32, #tpu.memory_space<hbm>> -> memref<32x128xf32, #tpu.memory_space<hbm>>
      %dma_start3A_96 = arith.constant 0 : i32
      %dma_start3A_97 = tpu.memref_slice %arg4[%dma_start3A_96, %multiple_of3A_88] : memref<32x1000000xf32, #tpu.memory_space<hbm>> -> memref<32x128xf32, #tpu.memory_space<hbm>>
      tpu.enqueue_dma source(%dma_start3A_97 : memref<32x128xf32, #tpu.memory_space<hbm>>) target(%arg13 : memref<32x128xf32, #tpu.memory_space<vmem>>) target_semaphore(%arg26 : memref<!tpu.dma_semaphore, #tpu.memory_space<semaphore_mem>>)
      %dma_start3A_98 = arith.constant 0 : i32
      %dma_start3A_99 = tpu.memref_slice %arg5[%dma_start3A_98, %multiple_of3A_93] : memref<32x100000xf32, #tpu.memory_space<hbm>> -> memref<32x128xf32, #tpu.memory_space<hbm>>
      %dma_start3A_100 = arith.constant 0 : i32
      %dma_start3A_101 = tpu.memref_slice %arg5[%dma_start3A_100, %multiple_of3A_93] : memref<32x100000xf32, #tpu.memory_space<hbm>> -> memref<32x128xf32, #tpu.memory_space<hbm>>
      tpu.enqueue_dma source(%dma_start3A_101 : memref<32x128xf32, #tpu.memory_space<hbm>>) target(%arg21 : memref<32x128xf32, #tpu.memory_space<vmem>>) target_semaphore(%arg26 : memref<!tpu.dma_semaphore, #tpu.memory_space<semaphore_mem>>)
      %slice3A_102 = vector.extract_strided_slice %get3A_15 {offsets = [4], sizes = [1], strides = [1]} : vector<16xi32> to vector<1xi32>
      %squeeze3A_103 = vector.extract %slice3A_102[0] : i32 from vector<1xi32>
      %slice3A_104 = vector.extract_strided_slice %get3A_17 {offsets = [4], sizes = [1], strides = [1]} : vector<16xi32> to vector<1xi32>
      %squeeze3A_105 = vector.extract %slice3A_104[0] : i32 from vector<1xi32>
      %shift_right_logical3A_106 = arith.constant 7 : i32
      %shift_right_logical3A_107 = arith.shrui %squeeze3A_103, %shift_right_logical3A_106 : i32
      %shift_left3A_108 = arith.constant 7 : i32
      %shift_left3A_109 = arith.shli %shift_right_logical3A_107, %shift_left3A_108 : i32
      %multiple_of3A_110 = tpu.assume_multiple %shift_left3A_109, 128 : i32
      %shift_right_logical3A_111 = arith.constant 7 : i32
      %shift_right_logical3A_112 = arith.shrui %squeeze3A_105, %shift_right_logical3A_111 : i32
      %shift_left3A_113 = arith.constant 7 : i32
      %shift_left3A_114 = arith.shli %shift_right_logical3A_112, %shift_left3A_113 : i32
      %multiple_of3A_115 = tpu.assume_multiple %shift_left3A_114, 128 : i32
      %dma_start3A_116 = arith.constant 0 : i32
      %dma_start3A_117 = tpu.memref_slice %arg4[%dma_start3A_116, %multiple_of3A_110] : memref<32x1000000xf32, #tpu.memory_space<hbm>> -> memref<32x128xf32, #tpu.memory_space<hbm>>
      %dma_start3A_118 = arith.constant 0 : i32
      %dma_start3A_119 = tpu.memref_slice %arg4[%dma_start3A_118, %multiple_of3A_110] : memref<32x1000000xf32, #tpu.memory_space<hbm>> -> memref<32x128xf32, #tpu.memory_space<hbm>>
      tpu.enqueue_dma source(%dma_start3A_119 : memref<32x128xf32, #tpu.memory_space<hbm>>) target(%arg14 : memref<32x128xf32, #tpu.memory_space<vmem>>) target_semaphore(%arg26 : memref<!tpu.dma_semaphore, #tpu.memory_space<semaphore_mem>>)
      %dma_start3A_120 = arith.constant 0 : i32
      %dma_start3A_121 = tpu.memref_slice %arg5[%dma_start3A_120, %multiple_of3A_115] : memref<32x100000xf32, #tpu.memory_space<hbm>> -> memref<32x128xf32, #tpu.memory_space<hbm>>
      %dma_start3A_122 = arith.constant 0 : i32
      %dma_start3A_123 = tpu.memref_slice %arg5[%dma_start3A_122, %multiple_of3A_115] : memref<32x100000xf32, #tpu.memory_space<hbm>> -> memref<32x128xf32, #tpu.memory_space<hbm>>
      tpu.enqueue_dma source(%dma_start3A_123 : memref<32x128xf32, #tpu.memory_space<hbm>>) target(%arg22 : memref<32x128xf32, #tpu.memory_space<vmem>>) target_semaphore(%arg26 : memref<!tpu.dma_semaphore, #tpu.memory_space<semaphore_mem>>)
      %slice3A_124 = vector.extract_strided_slice %get3A_15 {offsets = [5], sizes = [1], strides = [1]} : vector<16xi32> to vector<1xi32>
      %squeeze3A_125 = vector.extract %slice3A_124[0] : i32 from vector<1xi32>
      %slice3A_126 = vector.extract_strided_slice %get3A_17 {offsets = [5], sizes = [1], strides = [1]} : vector<16xi32> to vector<1xi32>
      %squeeze3A_127 = vector.extract %slice3A_126[0] : i32 from vector<1xi32>
      %shift_right_logical3A_128 = arith.constant 7 : i32
      %shift_right_logical3A_129 = arith.shrui %squeeze3A_125, %shift_right_logical3A_128 : i32
      %shift_left3A_130 = arith.constant 7 : i32
      %shift_left3A_131 = arith.shli %shift_right_logical3A_129, %shift_left3A_130 : i32
      %multiple_of3A_132 = tpu.assume_multiple %shift_left3A_131, 128 : i32
      %shift_right_logical3A_133 = arith.constant 7 : i32
      %shift_right_logical3A_134 = arith.shrui %squeeze3A_127, %shift_right_logical3A_133 : i32
      %shift_left3A_135 = arith.constant 7 : i32
      %shift_left3A_136 = arith.shli %shift_right_logical3A_134, %shift_left3A_135 : i32
      %multiple_of3A_137 = tpu.assume_multiple %shift_left3A_136, 128 : i32
      %dma_start3A_138 = arith.constant 0 : i32
      %dma_start3A_139 = tpu.memref_slice %arg4[%dma_start3A_138, %multiple_of3A_132] : memref<32x1000000xf32, #tpu.memory_space<hbm>> -> memref<32x128xf32, #tpu.memory_space<hbm>>
      %dma_start3A_140 = arith.constant 0 : i32
      %dma_start3A_141 = tpu.memref_slice %arg4[%dma_start3A_140, %multiple_of3A_132] : memref<32x1000000xf32, #tpu.memory_space<hbm>> -> memref<32x128xf32, #tpu.memory_space<hbm>>
      tpu.enqueue_dma source(%dma_start3A_141 : memref<32x128xf32, #tpu.memory_space<hbm>>) target(%arg15 : memref<32x128xf32, #tpu.memory_space<vmem>>) target_semaphore(%arg26 : memref<!tpu.dma_semaphore, #tpu.memory_space<semaphore_mem>>)
      %dma_start3A_142 = arith.constant 0 : i32
      %dma_start3A_143 = tpu.memref_slice %arg5[%dma_start3A_142, %multiple_of3A_137] : memref<32x100000xf32, #tpu.memory_space<hbm>> -> memref<32x128xf32, #tpu.memory_space<hbm>>
      %dma_start3A_144 = arith.constant 0 : i32
      %dma_start3A_145 = tpu.memref_slice %arg5[%dma_start3A_144, %multiple_of3A_137] : memref<32x100000xf32, #tpu.memory_space<hbm>> -> memref<32x128xf32, #tpu.memory_space<hbm>>
      tpu.enqueue_dma source(%dma_start3A_145 : memref<32x128xf32, #tpu.memory_space<hbm>>) target(%arg23 : memref<32x128xf32, #tpu.memory_space<vmem>>) target_semaphore(%arg26 : memref<!tpu.dma_semaphore, #tpu.memory_space<semaphore_mem>>)
      %slice3A_146 = vector.extract_strided_slice %get3A_15 {offsets = [6], sizes = [1], strides = [1]} : vector<16xi32> to vector<1xi32>
      %squeeze3A_147 = vector.extract %slice3A_146[0] : i32 from vector<1xi32>
      %slice3A_148 = vector.extract_strided_slice %get3A_17 {offsets = [6], sizes = [1], strides = [1]} : vector<16xi32> to vector<1xi32>
      %squeeze3A_149 = vector.extract %slice3A_148[0] : i32 from vector<1xi32>
      %shift_right_logical3A_150 = arith.constant 7 : i32
      %shift_right_logical3A_151 = arith.shrui %squeeze3A_147, %shift_right_logical3A_150 : i32
      %shift_left3A_152 = arith.constant 7 : i32
      %shift_left3A_153 = arith.shli %shift_right_logical3A_151, %shift_left3A_152 : i32
      %multiple_of3A_154 = tpu.assume_multiple %shift_left3A_153, 128 : i32
      %shift_right_logical3A_155 = arith.constant 7 : i32
      %shift_right_logical3A_156 = arith.shrui %squeeze3A_149, %shift_right_logical3A_155 : i32
      %shift_left3A_157 = arith.constant 7 : i32
      %shift_left3A_158 = arith.shli %shift_right_logical3A_156, %shift_left3A_157 : i32
      %multiple_of3A_159 = tpu.assume_multiple %shift_left3A_158, 128 : i32
      %dma_start3A_160 = arith.constant 0 : i32
      %dma_start3A_161 = tpu.memref_slice %arg4[%dma_start3A_160, %multiple_of3A_154] : memref<32x1000000xf32, #tpu.memory_space<hbm>> -> memref<32x128xf32, #tpu.memory_space<hbm>>
      %dma_start3A_162 = arith.constant 0 : i32
      %dma_start3A_163 = tpu.memref_slice %arg4[%dma_start3A_162, %multiple_of3A_154] : memref<32x1000000xf32, #tpu.memory_space<hbm>> -> memref<32x128xf32, #tpu.memory_space<hbm>>
      tpu.enqueue_dma source(%dma_start3A_163 : memref<32x128xf32, #tpu.memory_space<hbm>>) target(%arg16 : memref<32x128xf32, #tpu.memory_space<vmem>>) target_semaphore(%arg26 : memref<!tpu.dma_semaphore, #tpu.memory_space<semaphore_mem>>)
      %dma_start3A_164 = arith.constant 0 : i32
      %dma_start3A_165 = tpu.memref_slice %arg5[%dma_start3A_164, %multiple_of3A_159] : memref<32x100000xf32, #tpu.memory_space<hbm>> -> memref<32x128xf32, #tpu.memory_space<hbm>>
      %dma_start3A_166 = arith.constant 0 : i32
      %dma_start3A_167 = tpu.memref_slice %arg5[%dma_start3A_166, %multiple_of3A_159] : memref<32x100000xf32, #tpu.memory_space<hbm>> -> memref<32x128xf32, #tpu.memory_space<hbm>>
      tpu.enqueue_dma source(%dma_start3A_167 : memref<32x128xf32, #tpu.memory_space<hbm>>) target(%arg24 : memref<32x128xf32, #tpu.memory_space<vmem>>) target_semaphore(%arg26 : memref<!tpu.dma_semaphore, #tpu.memory_space<semaphore_mem>>)
      %slice3A_168 = vector.extract_strided_slice %get3A_15 {offsets = [7], sizes = [1], strides = [1]} : vector<16xi32> to vector<1xi32>
      %squeeze3A_169 = vector.extract %slice3A_168[0] : i32 from vector<1xi32>
      %slice3A_170 = vector.extract_strided_slice %get3A_17 {offsets = [7], sizes = [1], strides = [1]} : vector<16xi32> to vector<1xi32>
      %squeeze3A_171 = vector.extract %slice3A_170[0] : i32 from vector<1xi32>
      %shift_right_logical3A_172 = arith.constant 7 : i32
      %shift_right_logical3A_173 = arith.shrui %squeeze3A_169, %shift_right_logical3A_172 : i32
      %shift_left3A_174 = arith.constant 7 : i32
      %shift_left3A_175 = arith.shli %shift_right_logical3A_173, %shift_left3A_174 : i32
      %multiple_of3A_176 = tpu.assume_multiple %shift_left3A_175, 128 : i32
      %shift_right_logical3A_177 = arith.constant 7 : i32
      %shift_right_logical3A_178 = arith.shrui %squeeze3A_171, %shift_right_logical3A_177 : i32
      %shift_left3A_179 = arith.constant 7 : i32
      %shift_left3A_180 = arith.shli %shift_right_logical3A_178, %shift_left3A_179 : i32
      %multiple_of3A_181 = tpu.assume_multiple %shift_left3A_180, 128 : i32
      %dma_start3A_182 = arith.constant 0 : i32
      %dma_start3A_183 = tpu.memref_slice %arg4[%dma_start3A_182, %multiple_of3A_176] : memref<32x1000000xf32, #tpu.memory_space<hbm>> -> memref<32x128xf32, #tpu.memory_space<hbm>>
      %dma_start3A_184 = arith.constant 0 : i32
      %dma_start3A_185 = tpu.memref_slice %arg4[%dma_start3A_184, %multiple_of3A_176] : memref<32x1000000xf32, #tpu.memory_space<hbm>> -> memref<32x128xf32, #tpu.memory_space<hbm>>
      tpu.enqueue_dma source(%dma_start3A_185 : memref<32x128xf32, #tpu.memory_space<hbm>>) target(%arg17 : memref<32x128xf32, #tpu.memory_space<vmem>>) target_semaphore(%arg26 : memref<!tpu.dma_semaphore, #tpu.memory_space<semaphore_mem>>)
      %dma_start3A_186 = arith.constant 0 : i32
      %dma_start3A_187 = tpu.memref_slice %arg5[%dma_start3A_186, %multiple_of3A_181] : memref<32x100000xf32, #tpu.memory_space<hbm>> -> memref<32x128xf32, #tpu.memory_space<hbm>>
      %dma_start3A_188 = arith.constant 0 : i32
      %dma_start3A_189 = tpu.memref_slice %arg5[%dma_start3A_188, %multiple_of3A_181] : memref<32x100000xf32, #tpu.memory_space<hbm>> -> memref<32x128xf32, #tpu.memory_space<hbm>>
      tpu.enqueue_dma source(%dma_start3A_189 : memref<32x128xf32, #tpu.memory_space<hbm>>) target(%arg25 : memref<32x128xf32, #tpu.memory_space<vmem>>) target_semaphore(%arg26 : memref<!tpu.dma_semaphore, #tpu.memory_space<semaphore_mem>>)
      %dma_wait3A = arith.constant 0 : i32
      %dma_wait3A_190 = tpu.memref_slice %arg4[%dma_wait3A, %multiple_of3A_23] : memref<32x1000000xf32, #tpu.memory_space<hbm>> -> memref<32x128xf32, #tpu.memory_space<hbm>>
      %dma_wait3A_191 = arith.constant 0 : i32
      %dma_wait3A_192 = tpu.memref_slice %arg4[%dma_wait3A_191, %multiple_of3A_23] : memref<32x1000000xf32, #tpu.memory_space<hbm>> -> memref<32x128xf32, #tpu.memory_space<hbm>>
      tpu.wait_dma2 semaphore(%arg26 : memref<!tpu.dma_semaphore, #tpu.memory_space<semaphore_mem>>) src(%dma_wait3A_192 : memref<32x128xf32, #tpu.memory_space<hbm>>) dst(%arg10 : memref<32x128xf32, #tpu.memory_space<vmem>>)
      %dma_wait3A_193 = arith.constant 0 : i32
      %dma_wait3A_194 = tpu.memref_slice %arg5[%dma_wait3A_193, %multiple_of3A_28] : memref<32x100000xf32, #tpu.memory_space<hbm>> -> memref<32x128xf32, #tpu.memory_space<hbm>>
      %dma_wait3A_195 = arith.constant 0 : i32
      %dma_wait3A_196 = tpu.memref_slice %arg5[%dma_wait3A_195, %multiple_of3A_28] : memref<32x100000xf32, #tpu.memory_space<hbm>> -> memref<32x128xf32, #tpu.memory_space<hbm>>
      tpu.wait_dma2 semaphore(%arg26 : memref<!tpu.dma_semaphore, #tpu.memory_space<semaphore_mem>>) src(%dma_wait3A_196 : memref<32x128xf32, #tpu.memory_space<hbm>>) dst(%arg18 : memref<32x128xf32, #tpu.memory_space<vmem>>)
      %dma_wait3A_197 = arith.constant 0 : i32
      %dma_wait3A_198 = tpu.memref_slice %arg4[%dma_wait3A_197, %multiple_of3A_44] : memref<32x1000000xf32, #tpu.memory_space<hbm>> -> memref<32x128xf32, #tpu.memory_space<hbm>>
      %dma_wait3A_199 = arith.constant 0 : i32
      %dma_wait3A_200 = tpu.memref_slice %arg4[%dma_wait3A_199, %multiple_of3A_44] : memref<32x1000000xf32, #tpu.memory_space<hbm>> -> memref<32x128xf32, #tpu.memory_space<hbm>>
      tpu.wait_dma2 semaphore(%arg26 : memref<!tpu.dma_semaphore, #tpu.memory_space<semaphore_mem>>) src(%dma_wait3A_200 : memref<32x128xf32, #tpu.memory_space<hbm>>) dst(%arg11 : memref<32x128xf32, #tpu.memory_space<vmem>>)
      %dma_wait3A_201 = arith.constant 0 : i32
      %dma_wait3A_202 = tpu.memref_slice %arg5[%dma_wait3A_201, %multiple_of3A_49] : memref<32x100000xf32, #tpu.memory_space<hbm>> -> memref<32x128xf32, #tpu.memory_space<hbm>>
      %dma_wait3A_203 = arith.constant 0 : i32
      %dma_wait3A_204 = tpu.memref_slice %arg5[%dma_wait3A_203, %multiple_of3A_49] : memref<32x100000xf32, #tpu.memory_space<hbm>> -> memref<32x128xf32, #tpu.memory_space<hbm>>
      tpu.wait_dma2 semaphore(%arg26 : memref<!tpu.dma_semaphore, #tpu.memory_space<semaphore_mem>>) src(%dma_wait3A_204 : memref<32x128xf32, #tpu.memory_space<hbm>>) dst(%arg19 : memref<32x128xf32, #tpu.memory_space<vmem>>)
      %dma_wait3A_205 = arith.constant 0 : i32
      %dma_wait3A_206 = tpu.memref_slice %arg4[%dma_wait3A_205, %multiple_of3A_66] : memref<32x1000000xf32, #tpu.memory_space<hbm>> -> memref<32x128xf32, #tpu.memory_space<hbm>>
      %dma_wait3A_207 = arith.constant 0 : i32
      %dma_wait3A_208 = tpu.memref_slice %arg4[%dma_wait3A_207, %multiple_of3A_66] : memref<32x1000000xf32, #tpu.memory_space<hbm>> -> memref<32x128xf32, #tpu.memory_space<hbm>>
      tpu.wait_dma2 semaphore(%arg26 : memref<!tpu.dma_semaphore, #tpu.memory_space<semaphore_mem>>) src(%dma_wait3A_208 : memref<32x128xf32, #tpu.memory_space<hbm>>) dst(%arg12 : memref<32x128xf32, #tpu.memory_space<vmem>>)
      %dma_wait3A_209 = arith.constant 0 : i32
      %dma_wait3A_210 = tpu.memref_slice %arg5[%dma_wait3A_209, %multiple_of3A_71] : memref<32x100000xf32, #tpu.memory_space<hbm>> -> memref<32x128xf32, #tpu.memory_space<hbm>>
      %dma_wait3A_211 = arith.constant 0 : i32
      %dma_wait3A_212 = tpu.memref_slice %arg5[%dma_wait3A_211, %multiple_of3A_71] : memref<32x100000xf32, #tpu.memory_space<hbm>> -> memref<32x128xf32, #tpu.memory_space<hbm>>
      tpu.wait_dma2 semaphore(%arg26 : memref<!tpu.dma_semaphore, #tpu.memory_space<semaphore_mem>>) src(%dma_wait3A_212 : memref<32x128xf32, #tpu.memory_space<hbm>>) dst(%arg20 : memref<32x128xf32, #tpu.memory_space<vmem>>)
      %dma_wait3A_213 = arith.constant 0 : i32
      %dma_wait3A_214 = tpu.memref_slice %arg4[%dma_wait3A_213, %multiple_of3A_88] : memref<32x1000000xf32, #tpu.memory_space<hbm>> -> memref<32x128xf32, #tpu.memory_space<hbm>>
      %dma_wait3A_215 = arith.constant 0 : i32
      %dma_wait3A_216 = tpu.memref_slice %arg4[%dma_wait3A_215, %multiple_of3A_88] : memref<32x1000000xf32, #tpu.memory_space<hbm>> -> memref<32x128xf32, #tpu.memory_space<hbm>>
      tpu.wait_dma2 semaphore(%arg26 : memref<!tpu.dma_semaphore, #tpu.memory_space<semaphore_mem>>) src(%dma_wait3A_216 : memref<32x128xf32, #tpu.memory_space<hbm>>) dst(%arg13 : memref<32x128xf32, #tpu.memory_space<vmem>>)
      %dma_wait3A_217 = arith.constant 0 : i32
      %dma_wait3A_218 = tpu.memref_slice %arg5[%dma_wait3A_217, %multiple_of3A_93] : memref<32x100000xf32, #tpu.memory_space<hbm>> -> memref<32x128xf32, #tpu.memory_space<hbm>>
      %dma_wait3A_219 = arith.constant 0 : i32
      %dma_wait3A_220 = tpu.memref_slice %arg5[%dma_wait3A_219, %multiple_of3A_93] : memref<32x100000xf32, #tpu.memory_space<hbm>> -> memref<32x128xf32, #tpu.memory_space<hbm>>
      tpu.wait_dma2 semaphore(%arg26 : memref<!tpu.dma_semaphore, #tpu.memory_space<semaphore_mem>>) src(%dma_wait3A_220 : memref<32x128xf32, #tpu.memory_space<hbm>>) dst(%arg21 : memref<32x128xf32, #tpu.memory_space<vmem>>)
      %dma_wait3A_221 = arith.constant 0 : i32
      %dma_wait3A_222 = tpu.memref_slice %arg4[%dma_wait3A_221, %multiple_of3A_110] : memref<32x1000000xf32, #tpu.memory_space<hbm>> -> memref<32x128xf32, #tpu.memory_space<hbm>>
      %dma_wait3A_223 = arith.constant 0 : i32
      %dma_wait3A_224 = tpu.memref_slice %arg4[%dma_wait3A_223, %multiple_of3A_110] : memref<32x1000000xf32, #tpu.memory_space<hbm>> -> memref<32x128xf32, #tpu.memory_space<hbm>>
      tpu.wait_dma2 semaphore(%arg26 : memref<!tpu.dma_semaphore, #tpu.memory_space<semaphore_mem>>) src(%dma_wait3A_224 : memref<32x128xf32, #tpu.memory_space<hbm>>) dst(%arg14 : memref<32x128xf32, #tpu.memory_space<vmem>>)
      %dma_wait3A_225 = arith.constant 0 : i32
      %dma_wait3A_226 = tpu.memref_slice %arg5[%dma_wait3A_225, %multiple_of3A_115] : memref<32x100000xf32, #tpu.memory_space<hbm>> -> memref<32x128xf32, #tpu.memory_space<hbm>>
      %dma_wait3A_227 = arith.constant 0 : i32
      %dma_wait3A_228 = tpu.memref_slice %arg5[%dma_wait3A_227, %multiple_of3A_115] : memref<32x100000xf32, #tpu.memory_space<hbm>> -> memref<32x128xf32, #tpu.memory_space<hbm>>
      tpu.wait_dma2 semaphore(%arg26 : memref<!tpu.dma_semaphore, #tpu.memory_space<semaphore_mem>>) src(%dma_wait3A_228 : memref<32x128xf32, #tpu.memory_space<hbm>>) dst(%arg22 : memref<32x128xf32, #tpu.memory_space<vmem>>)
      %dma_wait3A_229 = arith.constant 0 : i32
      %dma_wait3A_230 = tpu.memref_slice %arg4[%dma_wait3A_229, %multiple_of3A_132] : memref<32x1000000xf32, #tpu.memory_space<hbm>> -> memref<32x128xf32, #tpu.memory_space<hbm>>
      %dma_wait3A_231 = arith.constant 0 : i32
      %dma_wait3A_232 = tpu.memref_slice %arg4[%dma_wait3A_231, %multiple_of3A_132] : memref<32x1000000xf32, #tpu.memory_space<hbm>> -> memref<32x128xf32, #tpu.memory_space<hbm>>
      tpu.wait_dma2 semaphore(%arg26 : memref<!tpu.dma_semaphore, #tpu.memory_space<semaphore_mem>>) src(%dma_wait3A_232 : memref<32x128xf32, #tpu.memory_space<hbm>>) dst(%arg15 : memref<32x128xf32, #tpu.memory_space<vmem>>)
      %dma_wait3A_233 = arith.constant 0 : i32
      %dma_wait3A_234 = tpu.memref_slice %arg5[%dma_wait3A_233, %multiple_of3A_137] : memref<32x100000xf32, #tpu.memory_space<hbm>> -> memref<32x128xf32, #tpu.memory_space<hbm>>
      %dma_wait3A_235 = arith.constant 0 : i32
      %dma_wait3A_236 = tpu.memref_slice %arg5[%dma_wait3A_235, %multiple_of3A_137] : memref<32x100000xf32, #tpu.memory_space<hbm>> -> memref<32x128xf32, #tpu.memory_space<hbm>>
      tpu.wait_dma2 semaphore(%arg26 : memref<!tpu.dma_semaphore, #tpu.memory_space<semaphore_mem>>) src(%dma_wait3A_236 : memref<32x128xf32, #tpu.memory_space<hbm>>) dst(%arg23 : memref<32x128xf32, #tpu.memory_space<vmem>>)
      %dma_wait3A_237 = arith.constant 0 : i32
      %dma_wait3A_238 = tpu.memref_slice %arg4[%dma_wait3A_237, %multiple_of3A_154] : memref<32x1000000xf32, #tpu.memory_space<hbm>> -> memref<32x128xf32, #tpu.memory_space<hbm>>
      %dma_wait3A_239 = arith.constant 0 : i32
      %dma_wait3A_240 = tpu.memref_slice %arg4[%dma_wait3A_239, %multiple_of3A_154] : memref<32x1000000xf32, #tpu.memory_space<hbm>> -> memref<32x128xf32, #tpu.memory_space<hbm>>
      tpu.wait_dma2 semaphore(%arg26 : memref<!tpu.dma_semaphore, #tpu.memory_space<semaphore_mem>>) src(%dma_wait3A_240 : memref<32x128xf32, #tpu.memory_space<hbm>>) dst(%arg16 : memref<32x128xf32, #tpu.memory_space<vmem>>)
      %dma_wait3A_241 = arith.constant 0 : i32
      %dma_wait3A_242 = tpu.memref_slice %arg5[%dma_wait3A_241, %multiple_of3A_159] : memref<32x100000xf32, #tpu.memory_space<hbm>> -> memref<32x128xf32, #tpu.memory_space<hbm>>
      %dma_wait3A_243 = arith.constant 0 : i32
      %dma_wait3A_244 = tpu.memref_slice %arg5[%dma_wait3A_243, %multiple_of3A_159] : memref<32x100000xf32, #tpu.memory_space<hbm>> -> memref<32x128xf32, #tpu.memory_space<hbm>>
      tpu.wait_dma2 semaphore(%arg26 : memref<!tpu.dma_semaphore, #tpu.memory_space<semaphore_mem>>) src(%dma_wait3A_244 : memref<32x128xf32, #tpu.memory_space<hbm>>) dst(%arg24 : memref<32x128xf32, #tpu.memory_space<vmem>>)
      %dma_wait3A_245 = arith.constant 0 : i32
      %dma_wait3A_246 = tpu.memref_slice %arg4[%dma_wait3A_245, %multiple_of3A_176] : memref<32x1000000xf32, #tpu.memory_space<hbm>> -> memref<32x128xf32, #tpu.memory_space<hbm>>
      %dma_wait3A_247 = arith.constant 0 : i32
      %dma_wait3A_248 = tpu.memref_slice %arg4[%dma_wait3A_247, %multiple_of3A_176] : memref<32x1000000xf32, #tpu.memory_space<hbm>> -> memref<32x128xf32, #tpu.memory_space<hbm>>
      tpu.wait_dma2 semaphore(%arg26 : memref<!tpu.dma_semaphore, #tpu.memory_space<semaphore_mem>>) src(%dma_wait3A_248 : memref<32x128xf32, #tpu.memory_space<hbm>>) dst(%arg17 : memref<32x128xf32, #tpu.memory_space<vmem>>)
      %dma_wait3A_249 = arith.constant 0 : i32
      %dma_wait3A_250 = tpu.memref_slice %arg5[%dma_wait3A_249, %multiple_of3A_181] : memref<32x100000xf32, #tpu.memory_space<hbm>> -> memref<32x128xf32, #tpu.memory_space<hbm>>
      %dma_wait3A_251 = arith.constant 0 : i32
      %dma_wait3A_252 = tpu.memref_slice %arg5[%dma_wait3A_251, %multiple_of3A_181] : memref<32x100000xf32, #tpu.memory_space<hbm>> -> memref<32x128xf32, #tpu.memory_space<hbm>>
      tpu.wait_dma2 semaphore(%arg26 : memref<!tpu.dma_semaphore, #tpu.memory_space<semaphore_mem>>) src(%dma_wait3A_252 : memref<32x128xf32, #tpu.memory_space<hbm>>) dst(%arg25 : memref<32x128xf32, #tpu.memory_space<vmem>>)
      %slice3A_253 = vector.extract_strided_slice %get3A_15 {offsets = [0], sizes = [1], strides = [1]} : vector<16xi32> to vector<1xi32>
      %squeeze3A_254 = vector.extract %slice3A_253[0] : i32 from vector<1xi32>
      %slice3A_255 = vector.extract_strided_slice %get3A_17 {offsets = [0], sizes = [1], strides = [1]} : vector<16xi32> to vector<1xi32>
      %squeeze3A_256 = vector.extract %slice3A_255[0] : i32 from vector<1xi32>
      %and3A = arith.constant 127 : i32
      %and3A_257 = arith.andi %squeeze3A_254, %and3A : i32
      %broadcast_in_dim3A_258 = vector.broadcast %and3A_257 : i32 to vector<16xi32>
      %and3A_259 = arith.constant 127 : i32
      %and3A_260 = arith.andi %squeeze3A_256, %and3A_259 : i32
      %broadcast_in_dim3A_261 = vector.broadcast %and3A_260 : i32 to vector<16xi32>
      %gather3A = tpu.vector_load_idx %arg10[%iota3A_3, %broadcast_in_dim3A_258] : memref<32x128xf32, #tpu.memory_space<vmem>>[vector<16xi32>, vector<16xi32>], vector<16xf32>,
      %gather3A_262 = tpu.vector_load_idx %arg10[%add3A_6, %broadcast_in_dim3A_258] : memref<32x128xf32, #tpu.memory_space<vmem>>[vector<16xi32>, vector<16xi32>], vector<16xf32>,
      %gather3A_263 = tpu.vector_load_idx %arg18[%iota3A_3, %broadcast_in_dim3A_261] : memref<32x128xf32, #tpu.memory_space<vmem>>[vector<16xi32>, vector<16xi32>], vector<16xf32>,
      %gather3A_264 = tpu.vector_load_idx %arg18[%add3A_6, %broadcast_in_dim3A_261] : memref<32x128xf32, #tpu.memory_space<vmem>>[vector<16xi32>, vector<16xi32>], vector<16xf32>,
      %mul3A_265 = arith.mulf %gather3A, %gather3A_263 : vector<16xf32>
      %mul3A_266 = arith.mulf %gather3A_262, %gather3A_264 : vector<16xf32>
      %add3A_267 = arith.addf %mul3A_265, %mul3A_266 : vector<16xf32>
      %reduce_sum3A = arith.constant true
      %reduce_sum3A_268 = vector.broadcast %reduce_sum3A : i1 to vector<16xi1>
      %reduce_sum3A_269 = tpu.scan <sum>, %add3A_267 masked %reduce_sum3A_268 : vector<16xf32>, vector<16xi1> -> vector<16xf32>
      %reduce_sum3A_270 = vector.extract %reduce_sum3A_269[15] : f32 from vector<16xf32>
      %eq3A = arith.constant 0 : i32
      %eq3A_271 = vector.broadcast %eq3A : i32 to vector<16xi32>
      %eq3A_272 = arith.cmpi eq, %iota3A, %eq3A_271 : vector<16xi32>
      %broadcast_in_dim3A_273 = vector.broadcast %reduce_sum3A_270 : f32 to vector<16xf32>
      %select_n3A = arith.select %eq3A_272, %broadcast_in_dim3A_273, %broadcast_in_dim3A_18 : vector<16xi1>, vector<16xf32>
      %slice3A_274 = vector.extract_strided_slice %get3A_15 {offsets = [1], sizes = [1], strides = [1]} : vector<16xi32> to vector<1xi32>
      %squeeze3A_275 = vector.extract %slice3A_274[0] : i32 from vector<1xi32>
      %slice3A_276 = vector.extract_strided_slice %get3A_17 {offsets = [1], sizes = [1], strides = [1]} : vector<16xi32> to vector<1xi32>
      %squeeze3A_277 = vector.extract %slice3A_276[0] : i32 from vector<1xi32>
      %and3A_278 = arith.constant 127 : i32
      %and3A_279 = arith.andi %squeeze3A_275, %and3A_278 : i32
      %broadcast_in_dim3A_280 = vector.broadcast %and3A_279 : i32 to vector<16xi32>
      %and3A_281 = arith.constant 127 : i32
      %and3A_282 = arith.andi %squeeze3A_277, %and3A_281 : i32
      %broadcast_in_dim3A_283 = vector.broadcast %and3A_282 : i32 to vector<16xi32>
      %gather3A_284 = tpu.vector_load_idx %arg11[%iota3A_3, %broadcast_in_dim3A_280] : memref<32x128xf32, #tpu.memory_space<vmem>>[vector<16xi32>, vector<16xi32>], vector<16xf32>,
      %gather3A_285 = tpu.vector_load_idx %arg11[%add3A_6, %broadcast_in_dim3A_280] : memref<32x128xf32, #tpu.memory_space<vmem>>[vector<16xi32>, vector<16xi32>], vector<16xf32>,
      %gather3A_286 = tpu.vector_load_idx %arg19[%iota3A_3, %broadcast_in_dim3A_283] : memref<32x128xf32, #tpu.memory_space<vmem>>[vector<16xi32>, vector<16xi32>], vector<16xf32>,
      %gather3A_287 = tpu.vector_load_idx %arg19[%add3A_6, %broadcast_in_dim3A_283] : memref<32x128xf32, #tpu.memory_space<vmem>>[vector<16xi32>, vector<16xi32>], vector<16xf32>,
      %mul3A_288 = arith.mulf %gather3A_284, %gather3A_286 : vector<16xf32>
      %mul3A_289 = arith.mulf %gather3A_285, %gather3A_287 : vector<16xf32>
      %add3A_290 = arith.addf %mul3A_288, %mul3A_289 : vector<16xf32>
      %reduce_sum3A_291 = arith.constant true
      %reduce_sum3A_292 = vector.broadcast %reduce_sum3A_291 : i1 to vector<16xi1>
      %reduce_sum3A_293 = tpu.scan <sum>, %add3A_290 masked %reduce_sum3A_292 : vector<16xf32>, vector<16xi1> -> vector<16xf32>
      %reduce_sum3A_294 = vector.extract %reduce_sum3A_293[15] : f32 from vector<16xf32>
      %eq3A_295 = arith.constant 1 : i32
      %eq3A_296 = vector.broadcast %eq3A_295 : i32 to vector<16xi32>
      %eq3A_297 = arith.cmpi eq, %iota3A, %eq3A_296 : vector<16xi32>
      %broadcast_in_dim3A_298 = vector.broadcast %reduce_sum3A_294 : f32 to vector<16xf32>
      %select_n3A_299 = arith.select %eq3A_297, %broadcast_in_dim3A_298, %select_n3A : vector<16xi1>, vector<16xf32>
      %slice3A_300 = vector.extract_strided_slice %get3A_15 {offsets = [2], sizes = [1], strides = [1]} : vector<16xi32> to vector<1xi32>
      %squeeze3A_301 = vector.extract %slice3A_300[0] : i32 from vector<1xi32>
      %slice3A_302 = vector.extract_strided_slice %get3A_17 {offsets = [2], sizes = [1], strides = [1]} : vector<16xi32> to vector<1xi32>
      %squeeze3A_303 = vector.extract %slice3A_302[0] : i32 from vector<1xi32>
      %and3A_304 = arith.constant 127 : i32
      %and3A_305 = arith.andi %squeeze3A_301, %and3A_304 : i32
      %broadcast_in_dim3A_306 = vector.broadcast %and3A_305 : i32 to vector<16xi32>
      %and3A_307 = arith.constant 127 : i32
      %and3A_308 = arith.andi %squeeze3A_303, %and3A_307 : i32
      %broadcast_in_dim3A_309 = vector.broadcast %and3A_308 : i32 to vector<16xi32>
      %gather3A_310 = tpu.vector_load_idx %arg12[%iota3A_3, %broadcast_in_dim3A_306] : memref<32x128xf32, #tpu.memory_space<vmem>>[vector<16xi32>, vector<16xi32>], vector<16xf32>,
      %gather3A_311 = tpu.vector_load_idx %arg12[%add3A_6, %broadcast_in_dim3A_306] : memref<32x128xf32, #tpu.memory_space<vmem>>[vector<16xi32>, vector<16xi32>], vector<16xf32>,
      %gather3A_312 = tpu.vector_load_idx %arg20[%iota3A_3, %broadcast_in_dim3A_309] : memref<32x128xf32, #tpu.memory_space<vmem>>[vector<16xi32>, vector<16xi32>], vector<16xf32>,
      %gather3A_313 = tpu.vector_load_idx %arg20[%add3A_6, %broadcast_in_dim3A_309] : memref<32x128xf32, #tpu.memory_space<vmem>>[vector<16xi32>, vector<16xi32>], vector<16xf32>,
      %mul3A_314 = arith.mulf %gather3A_310, %gather3A_312 : vector<16xf32>
      %mul3A_315 = arith.mulf %gather3A_311, %gather3A_313 : vector<16xf32>
      %add3A_316 = arith.addf %mul3A_314, %mul3A_315 : vector<16xf32>
      %reduce_sum3A_317 = arith.constant true
      %reduce_sum3A_318 = vector.broadcast %reduce_sum3A_317 : i1 to vector<16xi1>
      %reduce_sum3A_319 = tpu.scan <sum>, %add3A_316 masked %reduce_sum3A_318 : vector<16xf32>, vector<16xi1> -> vector<16xf32>
      %reduce_sum3A_320 = vector.extract %reduce_sum3A_319[15] : f32 from vector<16xf32>
      %eq3A_321 = arith.constant 2 : i32
      %eq3A_322 = vector.broadcast %eq3A_321 : i32 to vector<16xi32>
      %eq3A_323 = arith.cmpi eq, %iota3A, %eq3A_322 : vector<16xi32>
      %broadcast_in_dim3A_324 = vector.broadcast %reduce_sum3A_320 : f32 to vector<16xf32>
      %select_n3A_325 = arith.select %eq3A_323, %broadcast_in_dim3A_324, %select_n3A_299 : vector<16xi1>, vector<16xf32>
      %slice3A_326 = vector.extract_strided_slice %get3A_15 {offsets = [3], sizes = [1], strides = [1]} : vector<16xi32> to vector<1xi32>
      %squeeze3A_327 = vector.extract %slice3A_326[0] : i32 from vector<1xi32>
      %slice3A_328 = vector.extract_strided_slice %get3A_17 {offsets = [3], sizes = [1], strides = [1]} : vector<16xi32> to vector<1xi32>
      %squeeze3A_329 = vector.extract %slice3A_328[0] : i32 from vector<1xi32>
      %and3A_330 = arith.constant 127 : i32
      %and3A_331 = arith.andi %squeeze3A_327, %and3A_330 : i32
      %broadcast_in_dim3A_332 = vector.broadcast %and3A_331 : i32 to vector<16xi32>
      %and3A_333 = arith.constant 127 : i32
      %and3A_334 = arith.andi %squeeze3A_329, %and3A_333 : i32
      %broadcast_in_dim3A_335 = vector.broadcast %and3A_334 : i32 to vector<16xi32>
      %gather3A_336 = tpu.vector_load_idx %arg13[%iota3A_3, %broadcast_in_dim3A_332] : memref<32x128xf32, #tpu.memory_space<vmem>>[vector<16xi32>, vector<16xi32>], vector<16xf32>,
      %gather3A_337 = tpu.vector_load_idx %arg13[%add3A_6, %broadcast_in_dim3A_332] : memref<32x128xf32, #tpu.memory_space<vmem>>[vector<16xi32>, vector<16xi32>], vector<16xf32>,
      %gather3A_338 = tpu.vector_load_idx %arg21[%iota3A_3, %broadcast_in_dim3A_335] : memref<32x128xf32, #tpu.memory_space<vmem>>[vector<16xi32>, vector<16xi32>], vector<16xf32>,
      %gather3A_339 = tpu.vector_load_idx %arg21[%add3A_6, %broadcast_in_dim3A_335] : memref<32x128xf32, #tpu.memory_space<vmem>>[vector<16xi32>, vector<16xi32>], vector<16xf32>,
      %mul3A_340 = arith.mulf %gather3A_336, %gather3A_338 : vector<16xf32>
      %mul3A_341 = arith.mulf %gather3A_337, %gather3A_339 : vector<16xf32>
      %add3A_342 = arith.addf %mul3A_340, %mul3A_341 : vector<16xf32>
      %reduce_sum3A_343 = arith.constant true
      %reduce_sum3A_344 = vector.broadcast %reduce_sum3A_343 : i1 to vector<16xi1>
      %reduce_sum3A_345 = tpu.scan <sum>, %add3A_342 masked %reduce_sum3A_344 : vector<16xf32>, vector<16xi1> -> vector<16xf32>
      %reduce_sum3A_346 = vector.extract %reduce_sum3A_345[15] : f32 from vector<16xf32>
      %eq3A_347 = arith.constant 3 : i32
      %eq3A_348 = vector.broadcast %eq3A_347 : i32 to vector<16xi32>
      %eq3A_349 = arith.cmpi eq, %iota3A, %eq3A_348 : vector<16xi32>
      %broadcast_in_dim3A_350 = vector.broadcast %reduce_sum3A_346 : f32 to vector<16xf32>
      %select_n3A_351 = arith.select %eq3A_349, %broadcast_in_dim3A_350, %select_n3A_325 : vector<16xi1>, vector<16xf32>
      %slice3A_352 = vector.extract_strided_slice %get3A_15 {offsets = [4], sizes = [1], strides = [1]} : vector<16xi32> to vector<1xi32>
      %squeeze3A_353 = vector.extract %slice3A_352[0] : i32 from vector<1xi32>
      %slice3A_354 = vector.extract_strided_slice %get3A_17 {offsets = [4], sizes = [1], strides = [1]} : vector<16xi32> to vector<1xi32>
      %squeeze3A_355 = vector.extract %slice3A_354[0] : i32 from vector<1xi32>
      %and3A_356 = arith.constant 127 : i32
      %and3A_357 = arith.andi %squeeze3A_353, %and3A_356 : i32
      %broadcast_in_dim3A_358 = vector.broadcast %and3A_357 : i32 to vector<16xi32>
      %and3A_359 = arith.constant 127 : i32
      %and3A_360 = arith.andi %squeeze3A_355, %and3A_359 : i32
      %broadcast_in_dim3A_361 = vector.broadcast %and3A_360 : i32 to vector<16xi32>
      %gather3A_362 = tpu.vector_load_idx %arg14[%iota3A_3, %broadcast_in_dim3A_358] : memref<32x128xf32, #tpu.memory_space<vmem>>[vector<16xi32>, vector<16xi32>], vector<16xf32>,
      %gather3A_363 = tpu.vector_load_idx %arg14[%add3A_6, %broadcast_in_dim3A_358] : memref<32x128xf32, #tpu.memory_space<vmem>>[vector<16xi32>, vector<16xi32>], vector<16xf32>,
      %gather3A_364 = tpu.vector_load_idx %arg22[%iota3A_3, %broadcast_in_dim3A_361] : memref<32x128xf32, #tpu.memory_space<vmem>>[vector<16xi32>, vector<16xi32>], vector<16xf32>,
      %gather3A_365 = tpu.vector_load_idx %arg22[%add3A_6, %broadcast_in_dim3A_361] : memref<32x128xf32, #tpu.memory_space<vmem>>[vector<16xi32>, vector<16xi32>], vector<16xf32>,
      %mul3A_366 = arith.mulf %gather3A_362, %gather3A_364 : vector<16xf32>
      %mul3A_367 = arith.mulf %gather3A_363, %gather3A_365 : vector<16xf32>
      %add3A_368 = arith.addf %mul3A_366, %mul3A_367 : vector<16xf32>
      %reduce_sum3A_369 = arith.constant true
      %reduce_sum3A_370 = vector.broadcast %reduce_sum3A_369 : i1 to vector<16xi1>
      %reduce_sum3A_371 = tpu.scan <sum>, %add3A_368 masked %reduce_sum3A_370 : vector<16xf32>, vector<16xi1> -> vector<16xf32>
      %reduce_sum3A_372 = vector.extract %reduce_sum3A_371[15] : f32 from vector<16xf32>
      %eq3A_373 = arith.constant 4 : i32
      %eq3A_374 = vector.broadcast %eq3A_373 : i32 to vector<16xi32>
      %eq3A_375 = arith.cmpi eq, %iota3A, %eq3A_374 : vector<16xi32>
      %broadcast_in_dim3A_376 = vector.broadcast %reduce_sum3A_372 : f32 to vector<16xf32>
      %select_n3A_377 = arith.select %eq3A_375, %broadcast_in_dim3A_376, %select_n3A_351 : vector<16xi1>, vector<16xf32>
      %slice3A_378 = vector.extract_strided_slice %get3A_15 {offsets = [5], sizes = [1], strides = [1]} : vector<16xi32> to vector<1xi32>
      %squeeze3A_379 = vector.extract %slice3A_378[0] : i32 from vector<1xi32>
      %slice3A_380 = vector.extract_strided_slice %get3A_17 {offsets = [5], sizes = [1], strides = [1]} : vector<16xi32> to vector<1xi32>
      %squeeze3A_381 = vector.extract %slice3A_380[0] : i32 from vector<1xi32>
      %and3A_382 = arith.constant 127 : i32
      %and3A_383 = arith.andi %squeeze3A_379, %and3A_382 : i32
      %broadcast_in_dim3A_384 = vector.broadcast %and3A_383 : i32 to vector<16xi32>
      %and3A_385 = arith.constant 127 : i32
      %and3A_386 = arith.andi %squeeze3A_381, %and3A_385 : i32
      %broadcast_in_dim3A_387 = vector.broadcast %and3A_386 : i32 to vector<16xi32>
      %gather3A_388 = tpu.vector_load_idx %arg15[%iota3A_3, %broadcast_in_dim3A_384] : memref<32x128xf32, #tpu.memory_space<vmem>>[vector<16xi32>, vector<16xi32>], vector<16xf32>,
      %gather3A_389 = tpu.vector_load_idx %arg15[%add3A_6, %broadcast_in_dim3A_384] : memref<32x128xf32, #tpu.memory_space<vmem>>[vector<16xi32>, vector<16xi32>], vector<16xf32>,
      %gather3A_390 = tpu.vector_load_idx %arg23[%iota3A_3, %broadcast_in_dim3A_387] : memref<32x128xf32, #tpu.memory_space<vmem>>[vector<16xi32>, vector<16xi32>], vector<16xf32>,
      %gather3A_391 = tpu.vector_load_idx %arg23[%add3A_6, %broadcast_in_dim3A_387] : memref<32x128xf32, #tpu.memory_space<vmem>>[vector<16xi32>, vector<16xi32>], vector<16xf32>,
      %mul3A_392 = arith.mulf %gather3A_388, %gather3A_390 : vector<16xf32>
      %mul3A_393 = arith.mulf %gather3A_389, %gather3A_391 : vector<16xf32>
      %add3A_394 = arith.addf %mul3A_392, %mul3A_393 : vector<16xf32>
      %reduce_sum3A_395 = arith.constant true
      %reduce_sum3A_396 = vector.broadcast %reduce_sum3A_395 : i1 to vector<16xi1>
      %reduce_sum3A_397 = tpu.scan <sum>, %add3A_394 masked %reduce_sum3A_396 : vector<16xf32>, vector<16xi1> -> vector<16xf32>
      %reduce_sum3A_398 = vector.extract %reduce_sum3A_397[15] : f32 from vector<16xf32>
      %eq3A_399 = arith.constant 5 : i32
      %eq3A_400 = vector.broadcast %eq3A_399 : i32 to vector<16xi32>
      %eq3A_401 = arith.cmpi eq, %iota3A, %eq3A_400 : vector<16xi32>
      %broadcast_in_dim3A_402 = vector.broadcast %reduce_sum3A_398 : f32 to vector<16xf32>
      %select_n3A_403 = arith.select %eq3A_401, %broadcast_in_dim3A_402, %select_n3A_377 : vector<16xi1>, vector<16xf32>
      %slice3A_404 = vector.extract_strided_slice %get3A_15 {offsets = [6], sizes = [1], strides = [1]} : vector<16xi32> to vector<1xi32>
      %squeeze3A_405 = vector.extract %slice3A_404[0] : i32 from vector<1xi32>
      %slice3A_406 = vector.extract_strided_slice %get3A_17 {offsets = [6], sizes = [1], strides = [1]} : vector<16xi32> to vector<1xi32>
      %squeeze3A_407 = vector.extract %slice3A_406[0] : i32 from vector<1xi32>
      %and3A_408 = arith.constant 127 : i32
      %and3A_409 = arith.andi %squeeze3A_405, %and3A_408 : i32
      %broadcast_in_dim3A_410 = vector.broadcast %and3A_409 : i32 to vector<16xi32>
      %and3A_411 = arith.constant 127 : i32
      %and3A_412 = arith.andi %squeeze3A_407, %and3A_411 : i32
      %broadcast_in_dim3A_413 = vector.broadcast %and3A_412 : i32 to vector<16xi32>
      %gather3A_414 = tpu.vector_load_idx %arg16[%iota3A_3, %broadcast_in_dim3A_410] : memref<32x128xf32, #tpu.memory_space<vmem>>[vector<16xi32>, vector<16xi32>], vector<16xf32>,
      %gather3A_415 = tpu.vector_load_idx %arg16[%add3A_6, %broadcast_in_dim3A_410] : memref<32x128xf32, #tpu.memory_space<vmem>>[vector<16xi32>, vector<16xi32>], vector<16xf32>,
      %gather3A_416 = tpu.vector_load_idx %arg24[%iota3A_3, %broadcast_in_dim3A_413] : memref<32x128xf32, #tpu.memory_space<vmem>>[vector<16xi32>, vector<16xi32>], vector<16xf32>,
      %gather3A_417 = tpu.vector_load_idx %arg24[%add3A_6, %broadcast_in_dim3A_413] : memref<32x128xf32, #tpu.memory_space<vmem>>[vector<16xi32>, vector<16xi32>], vector<16xf32>,
      %mul3A_418 = arith.mulf %gather3A_414, %gather3A_416 : vector<16xf32>
      %mul3A_419 = arith.mulf %gather3A_415, %gather3A_417 : vector<16xf32>
      %add3A_420 = arith.addf %mul3A_418, %mul3A_419 : vector<16xf32>
      %reduce_sum3A_421 = arith.constant true
      %reduce_sum3A_422 = vector.broadcast %reduce_sum3A_421 : i1 to vector<16xi1>
      %reduce_sum3A_423 = tpu.scan <sum>, %add3A_420 masked %reduce_sum3A_422 : vector<16xf32>, vector<16xi1> -> vector<16xf32>
      %reduce_sum3A_424 = vector.extract %reduce_sum3A_423[15] : f32 from vector<16xf32>
      %eq3A_425 = arith.constant 6 : i32
      %eq3A_426 = vector.broadcast %eq3A_425 : i32 to vector<16xi32>
      %eq3A_427 = arith.cmpi eq, %iota3A, %eq3A_426 : vector<16xi32>
      %broadcast_in_dim3A_428 = vector.broadcast %reduce_sum3A_424 : f32 to vector<16xf32>
      %select_n3A_429 = arith.select %eq3A_427, %broadcast_in_dim3A_428, %select_n3A_403 : vector<16xi1>, vector<16xf32>
      %slice3A_430 = vector.extract_strided_slice %get3A_15 {offsets = [7], sizes = [1], strides = [1]} : vector<16xi32> to vector<1xi32>
      %squeeze3A_431 = vector.extract %slice3A_430[0] : i32 from vector<1xi32>
      %slice3A_432 = vector.extract_strided_slice %get3A_17 {offsets = [7], sizes = [1], strides = [1]} : vector<16xi32> to vector<1xi32>
      %squeeze3A_433 = vector.extract %slice3A_432[0] : i32 from vector<1xi32>
      %and3A_434 = arith.constant 127 : i32
      %and3A_435 = arith.andi %squeeze3A_431, %and3A_434 : i32
      %broadcast_in_dim3A_436 = vector.broadcast %and3A_435 : i32 to vector<16xi32>
      %and3A_437 = arith.constant 127 : i32
      %and3A_438 = arith.andi %squeeze3A_433, %and3A_437 : i32
      %broadcast_in_dim3A_439 = vector.broadcast %and3A_438 : i32 to vector<16xi32>
      %gather3A_440 = tpu.vector_load_idx %arg17[%iota3A_3, %broadcast_in_dim3A_436] : memref<32x128xf32, #tpu.memory_space<vmem>>[vector<16xi32>, vector<16xi32>], vector<16xf32>,
      %gather3A_441 = tpu.vector_load_idx %arg17[%add3A_6, %broadcast_in_dim3A_436] : memref<32x128xf32, #tpu.memory_space<vmem>>[vector<16xi32>, vector<16xi32>], vector<16xf32>,
      %gather3A_442 = tpu.vector_load_idx %arg25[%iota3A_3, %broadcast_in_dim3A_439] : memref<32x128xf32, #tpu.memory_space<vmem>>[vector<16xi32>, vector<16xi32>], vector<16xf32>,
      %gather3A_443 = tpu.vector_load_idx %arg25[%add3A_6, %broadcast_in_dim3A_439] : memref<32x128xf32, #tpu.memory_space<vmem>>[vector<16xi32>, vector<16xi32>], vector<16xf32>,
      %mul3A_444 = arith.mulf %gather3A_440, %gather3A_442 : vector<16xf32>
      %mul3A_445 = arith.mulf %gather3A_441, %gather3A_443 : vector<16xf32>
      %add3A_446 = arith.addf %mul3A_444, %mul3A_445 : vector<16xf32>
      %reduce_sum3A_447 = arith.constant true
      %reduce_sum3A_448 = vector.broadcast %reduce_sum3A_447 : i1 to vector<16xi1>
      %reduce_sum3A_449 = tpu.scan <sum>, %add3A_446 masked %reduce_sum3A_448 : vector<16xf32>, vector<16xi1> -> vector<16xf32>
      %reduce_sum3A_450 = vector.extract %reduce_sum3A_449[15] : f32 from vector<16xf32>
      %eq3A_451 = arith.constant 7 : i32
      %eq3A_452 = vector.broadcast %eq3A_451 : i32 to vector<16xi32>
      %eq3A_453 = arith.cmpi eq, %iota3A, %eq3A_452 : vector<16xi32>
      %broadcast_in_dim3A_454 = vector.broadcast %reduce_sum3A_450 : f32 to vector<16xf32>
      %select_n3A_455 = arith.select %eq3A_453, %broadcast_in_dim3A_454, %select_n3A_429 : vector<16xi1>, vector<16xf32>
      %slice3A_456 = vector.extract_strided_slice %get3A_15 {offsets = [8], sizes = [1], strides = [1]} : vector<16xi32> to vector<1xi32>
      %squeeze3A_457 = vector.extract %slice3A_456[0] : i32 from vector<1xi32>
      %slice3A_458 = vector.extract_strided_slice %get3A_17 {offsets = [8], sizes = [1], strides = [1]} : vector<16xi32> to vector<1xi32>
      %squeeze3A_459 = vector.extract %slice3A_458[0] : i32 from vector<1xi32>
      %shift_right_logical3A_460 = arith.constant 7 : i32
      %shift_right_logical3A_461 = arith.shrui %squeeze3A_457, %shift_right_logical3A_460 : i32
      %shift_left3A_462 = arith.constant 7 : i32
      %shift_left3A_463 = arith.shli %shift_right_logical3A_461, %shift_left3A_462 : i32
      %multiple_of3A_464 = tpu.assume_multiple %shift_left3A_463, 128 : i32
      %shift_right_logical3A_465 = arith.constant 7 : i32
      %shift_right_logical3A_466 = arith.shrui %squeeze3A_459, %shift_right_logical3A_465 : i32
      %shift_left3A_467 = arith.constant 7 : i32
      %shift_left3A_468 = arith.shli %shift_right_logical3A_466, %shift_left3A_467 : i32
      %multiple_of3A_469 = tpu.assume_multiple %shift_left3A_468, 128 : i32
      %dma_start3A_470 = arith.constant 0 : i32
      %dma_start3A_471 = tpu.memref_slice %arg4[%dma_start3A_470, %multiple_of3A_464] : memref<32x1000000xf32, #tpu.memory_space<hbm>> -> memref<32x128xf32, #tpu.memory_space<hbm>>
      %dma_start3A_472 = arith.constant 0 : i32
      %dma_start3A_473 = tpu.memref_slice %arg4[%dma_start3A_472, %multiple_of3A_464] : memref<32x1000000xf32, #tpu.memory_space<hbm>> -> memref<32x128xf32, #tpu.memory_space<hbm>>
      tpu.enqueue_dma source(%dma_start3A_473 : memref<32x128xf32, #tpu.memory_space<hbm>>) target(%arg10 : memref<32x128xf32, #tpu.memory_space<vmem>>) target_semaphore(%arg26 : memref<!tpu.dma_semaphore, #tpu.memory_space<semaphore_mem>>)
      %dma_start3A_474 = arith.constant 0 : i32
      %dma_start3A_475 = tpu.memref_slice %arg5[%dma_start3A_474, %multiple_of3A_469] : memref<32x100000xf32, #tpu.memory_space<hbm>> -> memref<32x128xf32, #tpu.memory_space<hbm>>
      %dma_start3A_476 = arith.constant 0 : i32
      %dma_start3A_477 = tpu.memref_slice %arg5[%dma_start3A_476, %multiple_of3A_469] : memref<32x100000xf32, #tpu.memory_space<hbm>> -> memref<32x128xf32, #tpu.memory_space<hbm>>
      tpu.enqueue_dma source(%dma_start3A_477 : memref<32x128xf32, #tpu.memory_space<hbm>>) target(%arg18 : memref<32x128xf32, #tpu.memory_space<vmem>>) target_semaphore(%arg26 : memref<!tpu.dma_semaphore, #tpu.memory_space<semaphore_mem>>)
      %slice3A_478 = vector.extract_strided_slice %get3A_15 {offsets = [9], sizes = [1], strides = [1]} : vector<16xi32> to vector<1xi32>
      %squeeze3A_479 = vector.extract %slice3A_478[0] : i32 from vector<1xi32>
      %slice3A_480 = vector.extract_strided_slice %get3A_17 {offsets = [9], sizes = [1], strides = [1]} : vector<16xi32> to vector<1xi32>
      %squeeze3A_481 = vector.extract %slice3A_480[0] : i32 from vector<1xi32>
      %shift_right_logical3A_482 = arith.constant 7 : i32
      %shift_right_logical3A_483 = arith.shrui %squeeze3A_479, %shift_right_logical3A_482 : i32
      %shift_left3A_484 = arith.constant 7 : i32
      %shift_left3A_485 = arith.shli %shift_right_logical3A_483, %shift_left3A_484 : i32
      %multiple_of3A_486 = tpu.assume_multiple %shift_left3A_485, 128 : i32
      %shift_right_logical3A_487 = arith.constant 7 : i32
      %shift_right_logical3A_488 = arith.shrui %squeeze3A_481, %shift_right_logical3A_487 : i32
      %shift_left3A_489 = arith.constant 7 : i32
      %shift_left3A_490 = arith.shli %shift_right_logical3A_488, %shift_left3A_489 : i32
      %multiple_of3A_491 = tpu.assume_multiple %shift_left3A_490, 128 : i32
      %dma_start3A_492 = arith.constant 0 : i32
      %dma_start3A_493 = tpu.memref_slice %arg4[%dma_start3A_492, %multiple_of3A_486] : memref<32x1000000xf32, #tpu.memory_space<hbm>> -> memref<32x128xf32, #tpu.memory_space<hbm>>
      %dma_start3A_494 = arith.constant 0 : i32
      %dma_start3A_495 = tpu.memref_slice %arg4[%dma_start3A_494, %multiple_of3A_486] : memref<32x1000000xf32, #tpu.memory_space<hbm>> -> memref<32x128xf32, #tpu.memory_space<hbm>>
      tpu.enqueue_dma source(%dma_start3A_495 : memref<32x128xf32, #tpu.memory_space<hbm>>) target(%arg11 : memref<32x128xf32, #tpu.memory_space<vmem>>) target_semaphore(%arg26 : memref<!tpu.dma_semaphore, #tpu.memory_space<semaphore_mem>>)
      %dma_start3A_496 = arith.constant 0 : i32
      %dma_start3A_497 = tpu.memref_slice %arg5[%dma_start3A_496, %multiple_of3A_491] : memref<32x100000xf32, #tpu.memory_space<hbm>> -> memref<32x128xf32, #tpu.memory_space<hbm>>
      %dma_start3A_498 = arith.constant 0 : i32
      %dma_start3A_499 = tpu.memref_slice %arg5[%dma_start3A_498, %multiple_of3A_491] : memref<32x100000xf32, #tpu.memory_space<hbm>> -> memref<32x128xf32, #tpu.memory_space<hbm>>
      tpu.enqueue_dma source(%dma_start3A_499 : memref<32x128xf32, #tpu.memory_space<hbm>>) target(%arg19 : memref<32x128xf32, #tpu.memory_space<vmem>>) target_semaphore(%arg26 : memref<!tpu.dma_semaphore, #tpu.memory_space<semaphore_mem>>)
      %slice3A_500 = vector.extract_strided_slice %get3A_15 {offsets = [10], sizes = [1], strides = [1]} : vector<16xi32> to vector<1xi32>
      %squeeze3A_501 = vector.extract %slice3A_500[0] : i32 from vector<1xi32>
      %slice3A_502 = vector.extract_strided_slice %get3A_17 {offsets = [10], sizes = [1], strides = [1]} : vector<16xi32> to vector<1xi32>
      %squeeze3A_503 = vector.extract %slice3A_502[0] : i32 from vector<1xi32>
      %shift_right_logical3A_504 = arith.constant 7 : i32
      %shift_right_logical3A_505 = arith.shrui %squeeze3A_501, %shift_right_logical3A_504 : i32
      %shift_left3A_506 = arith.constant 7 : i32
      %shift_left3A_507 = arith.shli %shift_right_logical3A_505, %shift_left3A_506 : i32
      %multiple_of3A_508 = tpu.assume_multiple %shift_left3A_507, 128 : i32
      %shift_right_logical3A_509 = arith.constant 7 : i32
      %shift_right_logical3A_510 = arith.shrui %squeeze3A_503, %shift_right_logical3A_509 : i32
      %shift_left3A_511 = arith.constant 7 : i32
      %shift_left3A_512 = arith.shli %shift_right_logical3A_510, %shift_left3A_511 : i32
      %multiple_of3A_513 = tpu.assume_multiple %shift_left3A_512, 128 : i32
      %dma_start3A_514 = arith.constant 0 : i32
      %dma_start3A_515 = tpu.memref_slice %arg4[%dma_start3A_514, %multiple_of3A_508] : memref<32x1000000xf32, #tpu.memory_space<hbm>> -> memref<32x128xf32, #tpu.memory_space<hbm>>
      %dma_start3A_516 = arith.constant 0 : i32
      %dma_start3A_517 = tpu.memref_slice %arg4[%dma_start3A_516, %multiple_of3A_508] : memref<32x1000000xf32, #tpu.memory_space<hbm>> -> memref<32x128xf32, #tpu.memory_space<hbm>>
      tpu.enqueue_dma source(%dma_start3A_517 : memref<32x128xf32, #tpu.memory_space<hbm>>) target(%arg12 : memref<32x128xf32, #tpu.memory_space<vmem>>) target_semaphore(%arg26 : memref<!tpu.dma_semaphore, #tpu.memory_space<semaphore_mem>>)
      %dma_start3A_518 = arith.constant 0 : i32
      %dma_start3A_519 = tpu.memref_slice %arg5[%dma_start3A_518, %multiple_of3A_513] : memref<32x100000xf32, #tpu.memory_space<hbm>> -> memref<32x128xf32, #tpu.memory_space<hbm>>
      %dma_start3A_520 = arith.constant 0 : i32
      %dma_start3A_521 = tpu.memref_slice %arg5[%dma_start3A_520, %multiple_of3A_513] : memref<32x100000xf32, #tpu.memory_space<hbm>> -> memref<32x128xf32, #tpu.memory_space<hbm>>
      tpu.enqueue_dma source(%dma_start3A_521 : memref<32x128xf32, #tpu.memory_space<hbm>>) target(%arg20 : memref<32x128xf32, #tpu.memory_space<vmem>>) target_semaphore(%arg26 : memref<!tpu.dma_semaphore, #tpu.memory_space<semaphore_mem>>)
      %slice3A_522 = vector.extract_strided_slice %get3A_15 {offsets = [11], sizes = [1], strides = [1]} : vector<16xi32> to vector<1xi32>
      %squeeze3A_523 = vector.extract %slice3A_522[0] : i32 from vector<1xi32>
      %slice3A_524 = vector.extract_strided_slice %get3A_17 {offsets = [11], sizes = [1], strides = [1]} : vector<16xi32> to vector<1xi32>
      %squeeze3A_525 = vector.extract %slice3A_524[0] : i32 from vector<1xi32>
      %shift_right_logical3A_526 = arith.constant 7 : i32
      %shift_right_logical3A_527 = arith.shrui %squeeze3A_523, %shift_right_logical3A_526 : i32
      %shift_left3A_528 = arith.constant 7 : i32
      %shift_left3A_529 = arith.shli %shift_right_logical3A_527, %shift_left3A_528 : i32
      %multiple_of3A_530 = tpu.assume_multiple %shift_left3A_529, 128 : i32
      %shift_right_logical3A_531 = arith.constant 7 : i32
      %shift_right_logical3A_532 = arith.shrui %squeeze3A_525, %shift_right_logical3A_531 : i32
      %shift_left3A_533 = arith.constant 7 : i32
      %shift_left3A_534 = arith.shli %shift_right_logical3A_532, %shift_left3A_533 : i32
      %multiple_of3A_535 = tpu.assume_multiple %shift_left3A_534, 128 : i32
      %dma_start3A_536 = arith.constant 0 : i32
      %dma_start3A_537 = tpu.memref_slice %arg4[%dma_start3A_536, %multiple_of3A_530] : memref<32x1000000xf32, #tpu.memory_space<hbm>> -> memref<32x128xf32, #tpu.memory_space<hbm>>
      %dma_start3A_538 = arith.constant 0 : i32
      %dma_start3A_539 = tpu.memref_slice %arg4[%dma_start3A_538, %multiple_of3A_530] : memref<32x1000000xf32, #tpu.memory_space<hbm>> -> memref<32x128xf32, #tpu.memory_space<hbm>>
      tpu.enqueue_dma source(%dma_start3A_539 : memref<32x128xf32, #tpu.memory_space<hbm>>) target(%arg13 : memref<32x128xf32, #tpu.memory_space<vmem>>) target_semaphore(%arg26 : memref<!tpu.dma_semaphore, #tpu.memory_space<semaphore_mem>>)
      %dma_start3A_540 = arith.constant 0 : i32
      %dma_start3A_541 = tpu.memref_slice %arg5[%dma_start3A_540, %multiple_of3A_535] : memref<32x100000xf32, #tpu.memory_space<hbm>> -> memref<32x128xf32, #tpu.memory_space<hbm>>
      %dma_start3A_542 = arith.constant 0 : i32
      %dma_start3A_543 = tpu.memref_slice %arg5[%dma_start3A_542, %multiple_of3A_535] : memref<32x100000xf32, #tpu.memory_space<hbm>> -> memref<32x128xf32, #tpu.memory_space<hbm>>
      tpu.enqueue_dma source(%dma_start3A_543 : memref<32x128xf32, #tpu.memory_space<hbm>>) target(%arg21 : memref<32x128xf32, #tpu.memory_space<vmem>>) target_semaphore(%arg26 : memref<!tpu.dma_semaphore, #tpu.memory_space<semaphore_mem>>)
      %slice3A_544 = vector.extract_strided_slice %get3A_15 {offsets = [12], sizes = [1], strides = [1]} : vector<16xi32> to vector<1xi32>
      %squeeze3A_545 = vector.extract %slice3A_544[0] : i32 from vector<1xi32>
      %slice3A_546 = vector.extract_strided_slice %get3A_17 {offsets = [12], sizes = [1], strides = [1]} : vector<16xi32> to vector<1xi32>
      %squeeze3A_547 = vector.extract %slice3A_546[0] : i32 from vector<1xi32>
      %shift_right_logical3A_548 = arith.constant 7 : i32
      %shift_right_logical3A_549 = arith.shrui %squeeze3A_545, %shift_right_logical3A_548 : i32
      %shift_left3A_550 = arith.constant 7 : i32
      %shift_left3A_551 = arith.shli %shift_right_logical3A_549, %shift_left3A_550 : i32
      %multiple_of3A_552 = tpu.assume_multiple %shift_left3A_551, 128 : i32
      %shift_right_logical3A_553 = arith.constant 7 : i32
      %shift_right_logical3A_554 = arith.shrui %squeeze3A_547, %shift_right_logical3A_553 : i32
      %shift_left3A_555 = arith.constant 7 : i32
      %shift_left3A_556 = arith.shli %shift_right_logical3A_554, %shift_left3A_555 : i32
      %multiple_of3A_557 = tpu.assume_multiple %shift_left3A_556, 128 : i32
      %dma_start3A_558 = arith.constant 0 : i32
      %dma_start3A_559 = tpu.memref_slice %arg4[%dma_start3A_558, %multiple_of3A_552] : memref<32x1000000xf32, #tpu.memory_space<hbm>> -> memref<32x128xf32, #tpu.memory_space<hbm>>
      %dma_start3A_560 = arith.constant 0 : i32
      %dma_start3A_561 = tpu.memref_slice %arg4[%dma_start3A_560, %multiple_of3A_552] : memref<32x1000000xf32, #tpu.memory_space<hbm>> -> memref<32x128xf32, #tpu.memory_space<hbm>>
      tpu.enqueue_dma source(%dma_start3A_561 : memref<32x128xf32, #tpu.memory_space<hbm>>) target(%arg14 : memref<32x128xf32, #tpu.memory_space<vmem>>) target_semaphore(%arg26 : memref<!tpu.dma_semaphore, #tpu.memory_space<semaphore_mem>>)
      %dma_start3A_562 = arith.constant 0 : i32
      %dma_start3A_563 = tpu.memref_slice %arg5[%dma_start3A_562, %multiple_of3A_557] : memref<32x100000xf32, #tpu.memory_space<hbm>> -> memref<32x128xf32, #tpu.memory_space<hbm>>
      %dma_start3A_564 = arith.constant 0 : i32
      %dma_start3A_565 = tpu.memref_slice %arg5[%dma_start3A_564, %multiple_of3A_557] : memref<32x100000xf32, #tpu.memory_space<hbm>> -> memref<32x128xf32, #tpu.memory_space<hbm>>
      tpu.enqueue_dma source(%dma_start3A_565 : memref<32x128xf32, #tpu.memory_space<hbm>>) target(%arg22 : memref<32x128xf32, #tpu.memory_space<vmem>>) target_semaphore(%arg26 : memref<!tpu.dma_semaphore, #tpu.memory_space<semaphore_mem>>)
      %slice3A_566 = vector.extract_strided_slice %get3A_15 {offsets = [13], sizes = [1], strides = [1]} : vector<16xi32> to vector<1xi32>
      %squeeze3A_567 = vector.extract %slice3A_566[0] : i32 from vector<1xi32>
      %slice3A_568 = vector.extract_strided_slice %get3A_17 {offsets = [13], sizes = [1], strides = [1]} : vector<16xi32> to vector<1xi32>
      %squeeze3A_569 = vector.extract %slice3A_568[0] : i32 from vector<1xi32>
      %shift_right_logical3A_570 = arith.constant 7 : i32
      %shift_right_logical3A_571 = arith.shrui %squeeze3A_567, %shift_right_logical3A_570 : i32
      %shift_left3A_572 = arith.constant 7 : i32
      %shift_left3A_573 = arith.shli %shift_right_logical3A_571, %shift_left3A_572 : i32
      %multiple_of3A_574 = tpu.assume_multiple %shift_left3A_573, 128 : i32
      %shift_right_logical3A_575 = arith.constant 7 : i32
      %shift_right_logical3A_576 = arith.shrui %squeeze3A_569, %shift_right_logical3A_575 : i32
      %shift_left3A_577 = arith.constant 7 : i32
      %shift_left3A_578 = arith.shli %shift_right_logical3A_576, %shift_left3A_577 : i32
      %multiple_of3A_579 = tpu.assume_multiple %shift_left3A_578, 128 : i32
      %dma_start3A_580 = arith.constant 0 : i32
      %dma_start3A_581 = tpu.memref_slice %arg4[%dma_start3A_580, %multiple_of3A_574] : memref<32x1000000xf32, #tpu.memory_space<hbm>> -> memref<32x128xf32, #tpu.memory_space<hbm>>
      %dma_start3A_582 = arith.constant 0 : i32
      %dma_start3A_583 = tpu.memref_slice %arg4[%dma_start3A_582, %multiple_of3A_574] : memref<32x1000000xf32, #tpu.memory_space<hbm>> -> memref<32x128xf32, #tpu.memory_space<hbm>>
      tpu.enqueue_dma source(%dma_start3A_583 : memref<32x128xf32, #tpu.memory_space<hbm>>) target(%arg15 : memref<32x128xf32, #tpu.memory_space<vmem>>) target_semaphore(%arg26 : memref<!tpu.dma_semaphore, #tpu.memory_space<semaphore_mem>>)
      %dma_start3A_584 = arith.constant 0 : i32
      %dma_start3A_585 = tpu.memref_slice %arg5[%dma_start3A_584, %multiple_of3A_579] : memref<32x100000xf32, #tpu.memory_space<hbm>> -> memref<32x128xf32, #tpu.memory_space<hbm>>
      %dma_start3A_586 = arith.constant 0 : i32
      %dma_start3A_587 = tpu.memref_slice %arg5[%dma_start3A_586, %multiple_of3A_579] : memref<32x100000xf32, #tpu.memory_space<hbm>> -> memref<32x128xf32, #tpu.memory_space<hbm>>
      tpu.enqueue_dma source(%dma_start3A_587 : memref<32x128xf32, #tpu.memory_space<hbm>>) target(%arg23 : memref<32x128xf32, #tpu.memory_space<vmem>>) target_semaphore(%arg26 : memref<!tpu.dma_semaphore, #tpu.memory_space<semaphore_mem>>)
      %slice3A_588 = vector.extract_strided_slice %get3A_15 {offsets = [14], sizes = [1], strides = [1]} : vector<16xi32> to vector<1xi32>
      %squeeze3A_589 = vector.extract %slice3A_588[0] : i32 from vector<1xi32>
      %slice3A_590 = vector.extract_strided_slice %get3A_17 {offsets = [14], sizes = [1], strides = [1]} : vector<16xi32> to vector<1xi32>
      %squeeze3A_591 = vector.extract %slice3A_590[0] : i32 from vector<1xi32>
      %shift_right_logical3A_592 = arith.constant 7 : i32
      %shift_right_logical3A_593 = arith.shrui %squeeze3A_589, %shift_right_logical3A_592 : i32
      %shift_left3A_594 = arith.constant 7 : i32
      %shift_left3A_595 = arith.shli %shift_right_logical3A_593, %shift_left3A_594 : i32
      %multiple_of3A_596 = tpu.assume_multiple %shift_left3A_595, 128 : i32
      %shift_right_logical3A_597 = arith.constant 7 : i32
      %shift_right_logical3A_598 = arith.shrui %squeeze3A_591, %shift_right_logical3A_597 : i32
      %shift_left3A_599 = arith.constant 7 : i32
      %shift_left3A_600 = arith.shli %shift_right_logical3A_598, %shift_left3A_599 : i32
      %multiple_of3A_601 = tpu.assume_multiple %shift_left3A_600, 128 : i32
      %dma_start3A_602 = arith.constant 0 : i32
      %dma_start3A_603 = tpu.memref_slice %arg4[%dma_start3A_602, %multiple_of3A_596] : memref<32x1000000xf32, #tpu.memory_space<hbm>> -> memref<32x128xf32, #tpu.memory_space<hbm>>
      %dma_start3A_604 = arith.constant 0 : i32
      %dma_start3A_605 = tpu.memref_slice %arg4[%dma_start3A_604, %multiple_of3A_596] : memref<32x1000000xf32, #tpu.memory_space<hbm>> -> memref<32x128xf32, #tpu.memory_space<hbm>>
      tpu.enqueue_dma source(%dma_start3A_605 : memref<32x128xf32, #tpu.memory_space<hbm>>) target(%arg16 : memref<32x128xf32, #tpu.memory_space<vmem>>) target_semaphore(%arg26 : memref<!tpu.dma_semaphore, #tpu.memory_space<semaphore_mem>>)
      %dma_start3A_606 = arith.constant 0 : i32
      %dma_start3A_607 = tpu.memref_slice %arg5[%dma_start3A_606, %multiple_of3A_601] : memref<32x100000xf32, #tpu.memory_space<hbm>> -> memref<32x128xf32, #tpu.memory_space<hbm>>
      %dma_start3A_608 = arith.constant 0 : i32
      %dma_start3A_609 = tpu.memref_slice %arg5[%dma_start3A_608, %multiple_of3A_601] : memref<32x100000xf32, #tpu.memory_space<hbm>> -> memref<32x128xf32, #tpu.memory_space<hbm>>
      tpu.enqueue_dma source(%dma_start3A_609 : memref<32x128xf32, #tpu.memory_space<hbm>>) target(%arg24 : memref<32x128xf32, #tpu.memory_space<vmem>>) target_semaphore(%arg26 : memref<!tpu.dma_semaphore, #tpu.memory_space<semaphore_mem>>)
      %slice3A_610 = vector.extract_strided_slice %get3A_15 {offsets = [15], sizes = [1], strides = [1]} : vector<16xi32> to vector<1xi32>
      %squeeze3A_611 = vector.extract %slice3A_610[0] : i32 from vector<1xi32>
      %slice3A_612 = vector.extract_strided_slice %get3A_17 {offsets = [15], sizes = [1], strides = [1]} : vector<16xi32> to vector<1xi32>
      %squeeze3A_613 = vector.extract %slice3A_612[0] : i32 from vector<1xi32>
      %shift_right_logical3A_614 = arith.constant 7 : i32
      %shift_right_logical3A_615 = arith.shrui %squeeze3A_611, %shift_right_logical3A_614 : i32
      %shift_left3A_616 = arith.constant 7 : i32
      %shift_left3A_617 = arith.shli %shift_right_logical3A_615, %shift_left3A_616 : i32
      %multiple_of3A_618 = tpu.assume_multiple %shift_left3A_617, 128 : i32
      %shift_right_logical3A_619 = arith.constant 7 : i32
      %shift_right_logical3A_620 = arith.shrui %squeeze3A_613, %shift_right_logical3A_619 : i32
      %shift_left3A_621 = arith.constant 7 : i32
      %shift_left3A_622 = arith.shli %shift_right_logical3A_620, %shift_left3A_621 : i32
      %multiple_of3A_623 = tpu.assume_multiple %shift_left3A_622, 128 : i32
      %dma_start3A_624 = arith.constant 0 : i32
      %dma_start3A_625 = tpu.memref_slice %arg4[%dma_start3A_624, %multiple_of3A_618] : memref<32x1000000xf32, #tpu.memory_space<hbm>> -> memref<32x128xf32, #tpu.memory_space<hbm>>
      %dma_start3A_626 = arith.constant 0 : i32
      %dma_start3A_627 = tpu.memref_slice %arg4[%dma_start3A_626, %multiple_of3A_618] : memref<32x1000000xf32, #tpu.memory_space<hbm>> -> memref<32x128xf32, #tpu.memory_space<hbm>>
      tpu.enqueue_dma source(%dma_start3A_627 : memref<32x128xf32, #tpu.memory_space<hbm>>) target(%arg17 : memref<32x128xf32, #tpu.memory_space<vmem>>) target_semaphore(%arg26 : memref<!tpu.dma_semaphore, #tpu.memory_space<semaphore_mem>>)
      %dma_start3A_628 = arith.constant 0 : i32
      %dma_start3A_629 = tpu.memref_slice %arg5[%dma_start3A_628, %multiple_of3A_623] : memref<32x100000xf32, #tpu.memory_space<hbm>> -> memref<32x128xf32, #tpu.memory_space<hbm>>
      %dma_start3A_630 = arith.constant 0 : i32
      %dma_start3A_631 = tpu.memref_slice %arg5[%dma_start3A_630, %multiple_of3A_623] : memref<32x100000xf32, #tpu.memory_space<hbm>> -> memref<32x128xf32, #tpu.memory_space<hbm>>
      tpu.enqueue_dma source(%dma_start3A_631 : memref<32x128xf32, #tpu.memory_space<hbm>>) target(%arg25 : memref<32x128xf32, #tpu.memory_space<vmem>>) target_semaphore(%arg26 : memref<!tpu.dma_semaphore, #tpu.memory_space<semaphore_mem>>)
      %dma_wait3A_632 = arith.constant 0 : i32
      %dma_wait3A_633 = tpu.memref_slice %arg4[%dma_wait3A_632, %multiple_of3A_464] : memref<32x1000000xf32, #tpu.memory_space<hbm>> -> memref<32x128xf32, #tpu.memory_space<hbm>>
      %dma_wait3A_634 = arith.constant 0 : i32
      %dma_wait3A_635 = tpu.memref_slice %arg4[%dma_wait3A_634, %multiple_of3A_464] : memref<32x1000000xf32, #tpu.memory_space<hbm>> -> memref<32x128xf32, #tpu.memory_space<hbm>>
      tpu.wait_dma2 semaphore(%arg26 : memref<!tpu.dma_semaphore, #tpu.memory_space<semaphore_mem>>) src(%dma_wait3A_635 : memref<32x128xf32, #tpu.memory_space<hbm>>) dst(%arg10 : memref<32x128xf32, #tpu.memory_space<vmem>>)
      %dma_wait3A_636 = arith.constant 0 : i32
      %dma_wait3A_637 = tpu.memref_slice %arg5[%dma_wait3A_636, %multiple_of3A_469] : memref<32x100000xf32, #tpu.memory_space<hbm>> -> memref<32x128xf32, #tpu.memory_space<hbm>>
      %dma_wait3A_638 = arith.constant 0 : i32
      %dma_wait3A_639 = tpu.memref_slice %arg5[%dma_wait3A_638, %multiple_of3A_469] : memref<32x100000xf32, #tpu.memory_space<hbm>> -> memref<32x128xf32, #tpu.memory_space<hbm>>
      tpu.wait_dma2 semaphore(%arg26 : memref<!tpu.dma_semaphore, #tpu.memory_space<semaphore_mem>>) src(%dma_wait3A_639 : memref<32x128xf32, #tpu.memory_space<hbm>>) dst(%arg18 : memref<32x128xf32, #tpu.memory_space<vmem>>)
      %dma_wait3A_640 = arith.constant 0 : i32
      %dma_wait3A_641 = tpu.memref_slice %arg4[%dma_wait3A_640, %multiple_of3A_486] : memref<32x1000000xf32, #tpu.memory_space<hbm>> -> memref<32x128xf32, #tpu.memory_space<hbm>>
      %dma_wait3A_642 = arith.constant 0 : i32
      %dma_wait3A_643 = tpu.memref_slice %arg4[%dma_wait3A_642, %multiple_of3A_486] : memref<32x1000000xf32, #tpu.memory_space<hbm>> -> memref<32x128xf32, #tpu.memory_space<hbm>>
      tpu.wait_dma2 semaphore(%arg26 : memref<!tpu.dma_semaphore, #tpu.memory_space<semaphore_mem>>) src(%dma_wait3A_643 : memref<32x128xf32, #tpu.memory_space<hbm>>) dst(%arg11 : memref<32x128xf32, #tpu.memory_space<vmem>>)
      %dma_wait3A_644 = arith.constant 0 : i32
      %dma_wait3A_645 = tpu.memref_slice %arg5[%dma_wait3A_644, %multiple_of3A_491] : memref<32x100000xf32, #tpu.memory_space<hbm>> -> memref<32x128xf32, #tpu.memory_space<hbm>>
      %dma_wait3A_646 = arith.constant 0 : i32
      %dma_wait3A_647 = tpu.memref_slice %arg5[%dma_wait3A_646, %multiple_of3A_491] : memref<32x100000xf32, #tpu.memory_space<hbm>> -> memref<32x128xf32, #tpu.memory_space<hbm>>
      tpu.wait_dma2 semaphore(%arg26 : memref<!tpu.dma_semaphore, #tpu.memory_space<semaphore_mem>>) src(%dma_wait3A_647 : memref<32x128xf32, #tpu.memory_space<hbm>>) dst(%arg19 : memref<32x128xf32, #tpu.memory_space<vmem>>)
      %dma_wait3A_648 = arith.constant 0 : i32
      %dma_wait3A_649 = tpu.memref_slice %arg4[%dma_wait3A_648, %multiple_of3A_508] : memref<32x1000000xf32, #tpu.memory_space<hbm>> -> memref<32x128xf32, #tpu.memory_space<hbm>>
      %dma_wait3A_650 = arith.constant 0 : i32
      %dma_wait3A_651 = tpu.memref_slice %arg4[%dma_wait3A_650, %multiple_of3A_508] : memref<32x1000000xf32, #tpu.memory_space<hbm>> -> memref<32x128xf32, #tpu.memory_space<hbm>>
      tpu.wait_dma2 semaphore(%arg26 : memref<!tpu.dma_semaphore, #tpu.memory_space<semaphore_mem>>) src(%dma_wait3A_651 : memref<32x128xf32, #tpu.memory_space<hbm>>) dst(%arg12 : memref<32x128xf32, #tpu.memory_space<vmem>>)
      %dma_wait3A_652 = arith.constant 0 : i32
      %dma_wait3A_653 = tpu.memref_slice %arg5[%dma_wait3A_652, %multiple_of3A_513] : memref<32x100000xf32, #tpu.memory_space<hbm>> -> memref<32x128xf32, #tpu.memory_space<hbm>>
      %dma_wait3A_654 = arith.constant 0 : i32
      %dma_wait3A_655 = tpu.memref_slice %arg5[%dma_wait3A_654, %multiple_of3A_513] : memref<32x100000xf32, #tpu.memory_space<hbm>> -> memref<32x128xf32, #tpu.memory_space<hbm>>
      tpu.wait_dma2 semaphore(%arg26 : memref<!tpu.dma_semaphore, #tpu.memory_space<semaphore_mem>>) src(%dma_wait3A_655 : memref<32x128xf32, #tpu.memory_space<hbm>>) dst(%arg20 : memref<32x128xf32, #tpu.memory_space<vmem>>)
      %dma_wait3A_656 = arith.constant 0 : i32
      %dma_wait3A_657 = tpu.memref_slice %arg4[%dma_wait3A_656, %multiple_of3A_530] : memref<32x1000000xf32, #tpu.memory_space<hbm>> -> memref<32x128xf32, #tpu.memory_space<hbm>>
      %dma_wait3A_658 = arith.constant 0 : i32
      %dma_wait3A_659 = tpu.memref_slice %arg4[%dma_wait3A_658, %multiple_of3A_530] : memref<32x1000000xf32, #tpu.memory_space<hbm>> -> memref<32x128xf32, #tpu.memory_space<hbm>>
      tpu.wait_dma2 semaphore(%arg26 : memref<!tpu.dma_semaphore, #tpu.memory_space<semaphore_mem>>) src(%dma_wait3A_659 : memref<32x128xf32, #tpu.memory_space<hbm>>) dst(%arg13 : memref<32x128xf32, #tpu.memory_space<vmem>>)
      %dma_wait3A_660 = arith.constant 0 : i32
      %dma_wait3A_661 = tpu.memref_slice %arg5[%dma_wait3A_660, %multiple_of3A_535] : memref<32x100000xf32, #tpu.memory_space<hbm>> -> memref<32x128xf32, #tpu.memory_space<hbm>>
      %dma_wait3A_662 = arith.constant 0 : i32
      %dma_wait3A_663 = tpu.memref_slice %arg5[%dma_wait3A_662, %multiple_of3A_535] : memref<32x100000xf32, #tpu.memory_space<hbm>> -> memref<32x128xf32, #tpu.memory_space<hbm>>
      tpu.wait_dma2 semaphore(%arg26 : memref<!tpu.dma_semaphore, #tpu.memory_space<semaphore_mem>>) src(%dma_wait3A_663 : memref<32x128xf32, #tpu.memory_space<hbm>>) dst(%arg21 : memref<32x128xf32, #tpu.memory_space<vmem>>)
      %dma_wait3A_664 = arith.constant 0 : i32
      %dma_wait3A_665 = tpu.memref_slice %arg4[%dma_wait3A_664, %multiple_of3A_552] : memref<32x1000000xf32, #tpu.memory_space<hbm>> -> memref<32x128xf32, #tpu.memory_space<hbm>>
      %dma_wait3A_666 = arith.constant 0 : i32
      %dma_wait3A_667 = tpu.memref_slice %arg4[%dma_wait3A_666, %multiple_of3A_552] : memref<32x1000000xf32, #tpu.memory_space<hbm>> -> memref<32x128xf32, #tpu.memory_space<hbm>>
      tpu.wait_dma2 semaphore(%arg26 : memref<!tpu.dma_semaphore, #tpu.memory_space<semaphore_mem>>) src(%dma_wait3A_667 : memref<32x128xf32, #tpu.memory_space<hbm>>) dst(%arg14 : memref<32x128xf32, #tpu.memory_space<vmem>>)
      %dma_wait3A_668 = arith.constant 0 : i32
      %dma_wait3A_669 = tpu.memref_slice %arg5[%dma_wait3A_668, %multiple_of3A_557] : memref<32x100000xf32, #tpu.memory_space<hbm>> -> memref<32x128xf32, #tpu.memory_space<hbm>>
      %dma_wait3A_670 = arith.constant 0 : i32
      %dma_wait3A_671 = tpu.memref_slice %arg5[%dma_wait3A_670, %multiple_of3A_557] : memref<32x100000xf32, #tpu.memory_space<hbm>> -> memref<32x128xf32, #tpu.memory_space<hbm>>
      tpu.wait_dma2 semaphore(%arg26 : memref<!tpu.dma_semaphore, #tpu.memory_space<semaphore_mem>>) src(%dma_wait3A_671 : memref<32x128xf32, #tpu.memory_space<hbm>>) dst(%arg22 : memref<32x128xf32, #tpu.memory_space<vmem>>)
      %dma_wait3A_672 = arith.constant 0 : i32
      %dma_wait3A_673 = tpu.memref_slice %arg4[%dma_wait3A_672, %multiple_of3A_574] : memref<32x1000000xf32, #tpu.memory_space<hbm>> -> memref<32x128xf32, #tpu.memory_space<hbm>>
      %dma_wait3A_674 = arith.constant 0 : i32
      %dma_wait3A_675 = tpu.memref_slice %arg4[%dma_wait3A_674, %multiple_of3A_574] : memref<32x1000000xf32, #tpu.memory_space<hbm>> -> memref<32x128xf32, #tpu.memory_space<hbm>>
      tpu.wait_dma2 semaphore(%arg26 : memref<!tpu.dma_semaphore, #tpu.memory_space<semaphore_mem>>) src(%dma_wait3A_675 : memref<32x128xf32, #tpu.memory_space<hbm>>) dst(%arg15 : memref<32x128xf32, #tpu.memory_space<vmem>>)
      %dma_wait3A_676 = arith.constant 0 : i32
      %dma_wait3A_677 = tpu.memref_slice %arg5[%dma_wait3A_676, %multiple_of3A_579] : memref<32x100000xf32, #tpu.memory_space<hbm>> -> memref<32x128xf32, #tpu.memory_space<hbm>>
      %dma_wait3A_678 = arith.constant 0 : i32
      %dma_wait3A_679 = tpu.memref_slice %arg5[%dma_wait3A_678, %multiple_of3A_579] : memref<32x100000xf32, #tpu.memory_space<hbm>> -> memref<32x128xf32, #tpu.memory_space<hbm>>
      tpu.wait_dma2 semaphore(%arg26 : memref<!tpu.dma_semaphore, #tpu.memory_space<semaphore_mem>>) src(%dma_wait3A_679 : memref<32x128xf32, #tpu.memory_space<hbm>>) dst(%arg23 : memref<32x128xf32, #tpu.memory_space<vmem>>)
      %dma_wait3A_680 = arith.constant 0 : i32
      %dma_wait3A_681 = tpu.memref_slice %arg4[%dma_wait3A_680, %multiple_of3A_596] : memref<32x1000000xf32, #tpu.memory_space<hbm>> -> memref<32x128xf32, #tpu.memory_space<hbm>>
      %dma_wait3A_682 = arith.constant 0 : i32
      %dma_wait3A_683 = tpu.memref_slice %arg4[%dma_wait3A_682, %multiple_of3A_596] : memref<32x1000000xf32, #tpu.memory_space<hbm>> -> memref<32x128xf32, #tpu.memory_space<hbm>>
      tpu.wait_dma2 semaphore(%arg26 : memref<!tpu.dma_semaphore, #tpu.memory_space<semaphore_mem>>) src(%dma_wait3A_683 : memref<32x128xf32, #tpu.memory_space<hbm>>) dst(%arg16 : memref<32x128xf32, #tpu.memory_space<vmem>>)
      %dma_wait3A_684 = arith.constant 0 : i32
      %dma_wait3A_685 = tpu.memref_slice %arg5[%dma_wait3A_684, %multiple_of3A_601] : memref<32x100000xf32, #tpu.memory_space<hbm>> -> memref<32x128xf32, #tpu.memory_space<hbm>>
      %dma_wait3A_686 = arith.constant 0 : i32
      %dma_wait3A_687 = tpu.memref_slice %arg5[%dma_wait3A_686, %multiple_of3A_601] : memref<32x100000xf32, #tpu.memory_space<hbm>> -> memref<32x128xf32, #tpu.memory_space<hbm>>
      tpu.wait_dma2 semaphore(%arg26 : memref<!tpu.dma_semaphore, #tpu.memory_space<semaphore_mem>>) src(%dma_wait3A_687 : memref<32x128xf32, #tpu.memory_space<hbm>>) dst(%arg24 : memref<32x128xf32, #tpu.memory_space<vmem>>)
      %dma_wait3A_688 = arith.constant 0 : i32
      %dma_wait3A_689 = tpu.memref_slice %arg4[%dma_wait3A_688, %multiple_of3A_618] : memref<32x1000000xf32, #tpu.memory_space<hbm>> -> memref<32x128xf32, #tpu.memory_space<hbm>>
      %dma_wait3A_690 = arith.constant 0 : i32
      %dma_wait3A_691 = tpu.memref_slice %arg4[%dma_wait3A_690, %multiple_of3A_618] : memref<32x1000000xf32, #tpu.memory_space<hbm>> -> memref<32x128xf32, #tpu.memory_space<hbm>>
      tpu.wait_dma2 semaphore(%arg26 : memref<!tpu.dma_semaphore, #tpu.memory_space<semaphore_mem>>) src(%dma_wait3A_691 : memref<32x128xf32, #tpu.memory_space<hbm>>) dst(%arg17 : memref<32x128xf32, #tpu.memory_space<vmem>>)
      %dma_wait3A_692 = arith.constant 0 : i32
      %dma_wait3A_693 = tpu.memref_slice %arg5[%dma_wait3A_692, %multiple_of3A_623] : memref<32x100000xf32, #tpu.memory_space<hbm>> -> memref<32x128xf32, #tpu.memory_space<hbm>>
      %dma_wait3A_694 = arith.constant 0 : i32
      %dma_wait3A_695 = tpu.memref_slice %arg5[%dma_wait3A_694, %multiple_of3A_623] : memref<32x100000xf32, #tpu.memory_space<hbm>> -> memref<32x128xf32, #tpu.memory_space<hbm>>
      tpu.wait_dma2 semaphore(%arg26 : memref<!tpu.dma_semaphore, #tpu.memory_space<semaphore_mem>>) src(%dma_wait3A_695 : memref<32x128xf32, #tpu.memory_space<hbm>>) dst(%arg25 : memref<32x128xf32, #tpu.memory_space<vmem>>)
      %slice3A_696 = vector.extract_strided_slice %get3A_15 {offsets = [8], sizes = [1], strides = [1]} : vector<16xi32> to vector<1xi32>
      %squeeze3A_697 = vector.extract %slice3A_696[0] : i32 from vector<1xi32>
      %slice3A_698 = vector.extract_strided_slice %get3A_17 {offsets = [8], sizes = [1], strides = [1]} : vector<16xi32> to vector<1xi32>
      %squeeze3A_699 = vector.extract %slice3A_698[0] : i32 from vector<1xi32>
      %and3A_700 = arith.constant 127 : i32
      %and3A_701 = arith.andi %squeeze3A_697, %and3A_700 : i32
      %broadcast_in_dim3A_702 = vector.broadcast %and3A_701 : i32 to vector<16xi32>
      %and3A_703 = arith.constant 127 : i32
      %and3A_704 = arith.andi %squeeze3A_699, %and3A_703 : i32
      %broadcast_in_dim3A_705 = vector.broadcast %and3A_704 : i32 to vector<16xi32>
      %gather3A_706 = tpu.vector_load_idx %arg10[%iota3A_3, %broadcast_in_dim3A_702] : memref<32x128xf32, #tpu.memory_space<vmem>>[vector<16xi32>, vector<16xi32>], vector<16xf32>,
      %gather3A_707 = tpu.vector_load_idx %arg10[%add3A_6, %broadcast_in_dim3A_702] : memref<32x128xf32, #tpu.memory_space<vmem>>[vector<16xi32>, vector<16xi32>], vector<16xf32>,
      %gather3A_708 = tpu.vector_load_idx %arg18[%iota3A_3, %broadcast_in_dim3A_705] : memref<32x128xf32, #tpu.memory_space<vmem>>[vector<16xi32>, vector<16xi32>], vector<16xf32>,
      %gather3A_709 = tpu.vector_load_idx %arg18[%add3A_6, %broadcast_in_dim3A_705] : memref<32x128xf32, #tpu.memory_space<vmem>>[vector<16xi32>, vector<16xi32>], vector<16xf32>,
      %mul3A_710 = arith.mulf %gather3A_706, %gather3A_708 : vector<16xf32>
      %mul3A_711 = arith.mulf %gather3A_707, %gather3A_709 : vector<16xf32>
      %add3A_712 = arith.addf %mul3A_710, %mul3A_711 : vector<16xf32>
      %reduce_sum3A_713 = arith.constant true
      %reduce_sum3A_714 = vector.broadcast %reduce_sum3A_713 : i1 to vector<16xi1>
      %reduce_sum3A_715 = tpu.scan <sum>, %add3A_712 masked %reduce_sum3A_714 : vector<16xf32>, vector<16xi1> -> vector<16xf32>
      %reduce_sum3A_716 = vector.extract %reduce_sum3A_715[15] : f32 from vector<16xf32>
      %eq3A_717 = arith.constant 8 : i32
      %eq3A_718 = vector.broadcast %eq3A_717 : i32 to vector<16xi32>
      %eq3A_719 = arith.cmpi eq, %iota3A, %eq3A_718 : vector<16xi32>
      %broadcast_in_dim3A_720 = vector.broadcast %reduce_sum3A_716 : f32 to vector<16xf32>
      %select_n3A_721 = arith.select %eq3A_719, %broadcast_in_dim3A_720, %select_n3A_455 : vector<16xi1>, vector<16xf32>
      %slice3A_722 = vector.extract_strided_slice %get3A_15 {offsets = [9], sizes = [1], strides = [1]} : vector<16xi32> to vector<1xi32>
      %squeeze3A_723 = vector.extract %slice3A_722[0] : i32 from vector<1xi32>
      %slice3A_724 = vector.extract_strided_slice %get3A_17 {offsets = [9], sizes = [1], strides = [1]} : vector<16xi32> to vector<1xi32>
      %squeeze3A_725 = vector.extract %slice3A_724[0] : i32 from vector<1xi32>
      %and3A_726 = arith.constant 127 : i32
      %and3A_727 = arith.andi %squeeze3A_723, %and3A_726 : i32
      %broadcast_in_dim3A_728 = vector.broadcast %and3A_727 : i32 to vector<16xi32>
      %and3A_729 = arith.constant 127 : i32
      %and3A_730 = arith.andi %squeeze3A_725, %and3A_729 : i32
      %broadcast_in_dim3A_731 = vector.broadcast %and3A_730 : i32 to vector<16xi32>
      %gather3A_732 = tpu.vector_load_idx %arg11[%iota3A_3, %broadcast_in_dim3A_728] : memref<32x128xf32, #tpu.memory_space<vmem>>[vector<16xi32>, vector<16xi32>], vector<16xf32>,
      %gather3A_733 = tpu.vector_load_idx %arg11[%add3A_6, %broadcast_in_dim3A_728] : memref<32x128xf32, #tpu.memory_space<vmem>>[vector<16xi32>, vector<16xi32>], vector<16xf32>,
      %gather3A_734 = tpu.vector_load_idx %arg19[%iota3A_3, %broadcast_in_dim3A_731] : memref<32x128xf32, #tpu.memory_space<vmem>>[vector<16xi32>, vector<16xi32>], vector<16xf32>,
      %gather3A_735 = tpu.vector_load_idx %arg19[%add3A_6, %broadcast_in_dim3A_731] : memref<32x128xf32, #tpu.memory_space<vmem>>[vector<16xi32>, vector<16xi32>], vector<16xf32>,
      %mul3A_736 = arith.mulf %gather3A_732, %gather3A_734 : vector<16xf32>
      %mul3A_737 = arith.mulf %gather3A_733, %gather3A_735 : vector<16xf32>
      %add3A_738 = arith.addf %mul3A_736, %mul3A_737 : vector<16xf32>
      %reduce_sum3A_739 = arith.constant true
      %reduce_sum3A_740 = vector.broadcast %reduce_sum3A_739 : i1 to vector<16xi1>
      %reduce_sum3A_741 = tpu.scan <sum>, %add3A_738 masked %reduce_sum3A_740 : vector<16xf32>, vector<16xi1> -> vector<16xf32>
      %reduce_sum3A_742 = vector.extract %reduce_sum3A_741[15] : f32 from vector<16xf32>
      %eq3A_743 = arith.constant 9 : i32
      %eq3A_744 = vector.broadcast %eq3A_743 : i32 to vector<16xi32>
      %eq3A_745 = arith.cmpi eq, %iota3A, %eq3A_744 : vector<16xi32>
      %broadcast_in_dim3A_746 = vector.broadcast %reduce_sum3A_742 : f32 to vector<16xf32>
      %select_n3A_747 = arith.select %eq3A_745, %broadcast_in_dim3A_746, %select_n3A_721 : vector<16xi1>, vector<16xf32>
      %slice3A_748 = vector.extract_strided_slice %get3A_15 {offsets = [10], sizes = [1], strides = [1]} : vector<16xi32> to vector<1xi32>
      %squeeze3A_749 = vector.extract %slice3A_748[0] : i32 from vector<1xi32>
      %slice3A_750 = vector.extract_strided_slice %get3A_17 {offsets = [10], sizes = [1], strides = [1]} : vector<16xi32> to vector<1xi32>
      %squeeze3A_751 = vector.extract %slice3A_750[0] : i32 from vector<1xi32>
      %and3A_752 = arith.constant 127 : i32
      %and3A_753 = arith.andi %squeeze3A_749, %and3A_752 : i32
      %broadcast_in_dim3A_754 = vector.broadcast %and3A_753 : i32 to vector<16xi32>
      %and3A_755 = arith.constant 127 : i32
      %and3A_756 = arith.andi %squeeze3A_751, %and3A_755 : i32
      %broadcast_in_dim3A_757 = vector.broadcast %and3A_756 : i32 to vector<16xi32>
      %gather3A_758 = tpu.vector_load_idx %arg12[%iota3A_3, %broadcast_in_dim3A_754] : memref<32x128xf32, #tpu.memory_space<vmem>>[vector<16xi32>, vector<16xi32>], vector<16xf32>,
      %gather3A_759 = tpu.vector_load_idx %arg12[%add3A_6, %broadcast_in_dim3A_754] : memref<32x128xf32, #tpu.memory_space<vmem>>[vector<16xi32>, vector<16xi32>], vector<16xf32>,
      %gather3A_760 = tpu.vector_load_idx %arg20[%iota3A_3, %broadcast_in_dim3A_757] : memref<32x128xf32, #tpu.memory_space<vmem>>[vector<16xi32>, vector<16xi32>], vector<16xf32>,
      %gather3A_761 = tpu.vector_load_idx %arg20[%add3A_6, %broadcast_in_dim3A_757] : memref<32x128xf32, #tpu.memory_space<vmem>>[vector<16xi32>, vector<16xi32>], vector<16xf32>,
      %mul3A_762 = arith.mulf %gather3A_758, %gather3A_760 : vector<16xf32>
      %mul3A_763 = arith.mulf %gather3A_759, %gather3A_761 : vector<16xf32>
      %add3A_764 = arith.addf %mul3A_762, %mul3A_763 : vector<16xf32>
      %reduce_sum3A_765 = arith.constant true
      %reduce_sum3A_766 = vector.broadcast %reduce_sum3A_765 : i1 to vector<16xi1>
      %reduce_sum3A_767 = tpu.scan <sum>, %add3A_764 masked %reduce_sum3A_766 : vector<16xf32>, vector<16xi1> -> vector<16xf32>
      %reduce_sum3A_768 = vector.extract %reduce_sum3A_767[15] : f32 from vector<16xf32>
      %eq3A_769 = arith.constant 10 : i32
      %eq3A_770 = vector.broadcast %eq3A_769 : i32 to vector<16xi32>
      %eq3A_771 = arith.cmpi eq, %iota3A, %eq3A_770 : vector<16xi32>
      %broadcast_in_dim3A_772 = vector.broadcast %reduce_sum3A_768 : f32 to vector<16xf32>
      %select_n3A_773 = arith.select %eq3A_771, %broadcast_in_dim3A_772, %select_n3A_747 : vector<16xi1>, vector<16xf32>
      %slice3A_774 = vector.extract_strided_slice %get3A_15 {offsets = [11], sizes = [1], strides = [1]} : vector<16xi32> to vector<1xi32>
      %squeeze3A_775 = vector.extract %slice3A_774[0] : i32 from vector<1xi32>
      %slice3A_776 = vector.extract_strided_slice %get3A_17 {offsets = [11], sizes = [1], strides = [1]} : vector<16xi32> to vector<1xi32>
      %squeeze3A_777 = vector.extract %slice3A_776[0] : i32 from vector<1xi32>
      %and3A_778 = arith.constant 127 : i32
      %and3A_779 = arith.andi %squeeze3A_775, %and3A_778 : i32
      %broadcast_in_dim3A_780 = vector.broadcast %and3A_779 : i32 to vector<16xi32>
      %and3A_781 = arith.constant 127 : i32
      %and3A_782 = arith.andi %squeeze3A_777, %and3A_781 : i32
      %broadcast_in_dim3A_783 = vector.broadcast %and3A_782 : i32 to vector<16xi32>
      %gather3A_784 = tpu.vector_load_idx %arg13[%iota3A_3, %broadcast_in_dim3A_780] : memref<32x128xf32, #tpu.memory_space<vmem>>[vector<16xi32>, vector<16xi32>], vector<16xf32>,
      %gather3A_785 = tpu.vector_load_idx %arg13[%add3A_6, %broadcast_in_dim3A_780] : memref<32x128xf32, #tpu.memory_space<vmem>>[vector<16xi32>, vector<16xi32>], vector<16xf32>,
      %gather3A_786 = tpu.vector_load_idx %arg21[%iota3A_3, %broadcast_in_dim3A_783] : memref<32x128xf32, #tpu.memory_space<vmem>>[vector<16xi32>, vector<16xi32>], vector<16xf32>,
      %gather3A_787 = tpu.vector_load_idx %arg21[%add3A_6, %broadcast_in_dim3A_783] : memref<32x128xf32, #tpu.memory_space<vmem>>[vector<16xi32>, vector<16xi32>], vector<16xf32>,
      %mul3A_788 = arith.mulf %gather3A_784, %gather3A_786 : vector<16xf32>
      %mul3A_789 = arith.mulf %gather3A_785, %gather3A_787 : vector<16xf32>
      %add3A_790 = arith.addf %mul3A_788, %mul3A_789 : vector<16xf32>
      %reduce_sum3A_791 = arith.constant true
      %reduce_sum3A_792 = vector.broadcast %reduce_sum3A_791 : i1 to vector<16xi1>
      %reduce_sum3A_793 = tpu.scan <sum>, %add3A_790 masked %reduce_sum3A_792 : vector<16xf32>, vector<16xi1> -> vector<16xf32>
      %reduce_sum3A_794 = vector.extract %reduce_sum3A_793[15] : f32 from vector<16xf32>
      %eq3A_795 = arith.constant 11 : i32
      %eq3A_796 = vector.broadcast %eq3A_795 : i32 to vector<16xi32>
      %eq3A_797 = arith.cmpi eq, %iota3A, %eq3A_796 : vector<16xi32>
      %broadcast_in_dim3A_798 = vector.broadcast %reduce_sum3A_794 : f32 to vector<16xf32>
      %select_n3A_799 = arith.select %eq3A_797, %broadcast_in_dim3A_798, %select_n3A_773 : vector<16xi1>, vector<16xf32>
      %slice3A_800 = vector.extract_strided_slice %get3A_15 {offsets = [12], sizes = [1], strides = [1]} : vector<16xi32> to vector<1xi32>
      %squeeze3A_801 = vector.extract %slice3A_800[0] : i32 from vector<1xi32>
      %slice3A_802 = vector.extract_strided_slice %get3A_17 {offsets = [12], sizes = [1], strides = [1]} : vector<16xi32> to vector<1xi32>
      %squeeze3A_803 = vector.extract %slice3A_802[0] : i32 from vector<1xi32>
      %and3A_804 = arith.constant 127 : i32
      %and3A_805 = arith.andi %squeeze3A_801, %and3A_804 : i32
      %broadcast_in_dim3A_806 = vector.broadcast %and3A_805 : i32 to vector<16xi32>
      %and3A_807 = arith.constant 127 : i32
      %and3A_808 = arith.andi %squeeze3A_803, %and3A_807 : i32
      %broadcast_in_dim3A_809 = vector.broadcast %and3A_808 : i32 to vector<16xi32>
      %gather3A_810 = tpu.vector_load_idx %arg14[%iota3A_3, %broadcast_in_dim3A_806] : memref<32x128xf32, #tpu.memory_space<vmem>>[vector<16xi32>, vector<16xi32>], vector<16xf32>,
      %gather3A_811 = tpu.vector_load_idx %arg14[%add3A_6, %broadcast_in_dim3A_806] : memref<32x128xf32, #tpu.memory_space<vmem>>[vector<16xi32>, vector<16xi32>], vector<16xf32>,
      %gather3A_812 = tpu.vector_load_idx %arg22[%iota3A_3, %broadcast_in_dim3A_809] : memref<32x128xf32, #tpu.memory_space<vmem>>[vector<16xi32>, vector<16xi32>], vector<16xf32>,
      %gather3A_813 = tpu.vector_load_idx %arg22[%add3A_6, %broadcast_in_dim3A_809] : memref<32x128xf32, #tpu.memory_space<vmem>>[vector<16xi32>, vector<16xi32>], vector<16xf32>,
      %mul3A_814 = arith.mulf %gather3A_810, %gather3A_812 : vector<16xf32>
      %mul3A_815 = arith.mulf %gather3A_811, %gather3A_813 : vector<16xf32>
      %add3A_816 = arith.addf %mul3A_814, %mul3A_815 : vector<16xf32>
      %reduce_sum3A_817 = arith.constant true
      %reduce_sum3A_818 = vector.broadcast %reduce_sum3A_817 : i1 to vector<16xi1>
      %reduce_sum3A_819 = tpu.scan <sum>, %add3A_816 masked %reduce_sum3A_818 : vector<16xf32>, vector<16xi1> -> vector<16xf32>
      %reduce_sum3A_820 = vector.extract %reduce_sum3A_819[15] : f32 from vector<16xf32>
      %eq3A_821 = arith.constant 12 : i32
      %eq3A_822 = vector.broadcast %eq3A_821 : i32 to vector<16xi32>
      %eq3A_823 = arith.cmpi eq, %iota3A, %eq3A_822 : vector<16xi32>
      %broadcast_in_dim3A_824 = vector.broadcast %reduce_sum3A_820 : f32 to vector<16xf32>
      %select_n3A_825 = arith.select %eq3A_823, %broadcast_in_dim3A_824, %select_n3A_799 : vector<16xi1>, vector<16xf32>
      %slice3A_826 = vector.extract_strided_slice %get3A_15 {offsets = [13], sizes = [1], strides = [1]} : vector<16xi32> to vector<1xi32>
      %squeeze3A_827 = vector.extract %slice3A_826[0] : i32 from vector<1xi32>
      %slice3A_828 = vector.extract_strided_slice %get3A_17 {offsets = [13], sizes = [1], strides = [1]} : vector<16xi32> to vector<1xi32>
      %squeeze3A_829 = vector.extract %slice3A_828[0] : i32 from vector<1xi32>
      %and3A_830 = arith.constant 127 : i32
      %and3A_831 = arith.andi %squeeze3A_827, %and3A_830 : i32
      %broadcast_in_dim3A_832 = vector.broadcast %and3A_831 : i32 to vector<16xi32>
      %and3A_833 = arith.constant 127 : i32
      %and3A_834 = arith.andi %squeeze3A_829, %and3A_833 : i32
      %broadcast_in_dim3A_835 = vector.broadcast %and3A_834 : i32 to vector<16xi32>
      %gather3A_836 = tpu.vector_load_idx %arg15[%iota3A_3, %broadcast_in_dim3A_832] : memref<32x128xf32, #tpu.memory_space<vmem>>[vector<16xi32>, vector<16xi32>], vector<16xf32>,
      %gather3A_837 = tpu.vector_load_idx %arg15[%add3A_6, %broadcast_in_dim3A_832] : memref<32x128xf32, #tpu.memory_space<vmem>>[vector<16xi32>, vector<16xi32>], vector<16xf32>,
      %gather3A_838 = tpu.vector_load_idx %arg23[%iota3A_3, %broadcast_in_dim3A_835] : memref<32x128xf32, #tpu.memory_space<vmem>>[vector<16xi32>, vector<16xi32>], vector<16xf32>,
      %gather3A_839 = tpu.vector_load_idx %arg23[%add3A_6, %broadcast_in_dim3A_835] : memref<32x128xf32, #tpu.memory_space<vmem>>[vector<16xi32>, vector<16xi32>], vector<16xf32>,
      %mul3A_840 = arith.mulf %gather3A_836, %gather3A_838 : vector<16xf32>
      %mul3A_841 = arith.mulf %gather3A_837, %gather3A_839 : vector<16xf32>
      %add3A_842 = arith.addf %mul3A_840, %mul3A_841 : vector<16xf32>
      %reduce_sum3A_843 = arith.constant true
      %reduce_sum3A_844 = vector.broadcast %reduce_sum3A_843 : i1 to vector<16xi1>
      %reduce_sum3A_845 = tpu.scan <sum>, %add3A_842 masked %reduce_sum3A_844 : vector<16xf32>, vector<16xi1> -> vector<16xf32>
      %reduce_sum3A_846 = vector.extract %reduce_sum3A_845[15] : f32 from vector<16xf32>
      %eq3A_847 = arith.constant 13 : i32
      %eq3A_848 = vector.broadcast %eq3A_847 : i32 to vector<16xi32>
      %eq3A_849 = arith.cmpi eq, %iota3A, %eq3A_848 : vector<16xi32>
      %broadcast_in_dim3A_850 = vector.broadcast %reduce_sum3A_846 : f32 to vector<16xf32>
      %select_n3A_851 = arith.select %eq3A_849, %broadcast_in_dim3A_850, %select_n3A_825 : vector<16xi1>, vector<16xf32>
      %slice3A_852 = vector.extract_strided_slice %get3A_15 {offsets = [14], sizes = [1], strides = [1]} : vector<16xi32> to vector<1xi32>
      %squeeze3A_853 = vector.extract %slice3A_852[0] : i32 from vector<1xi32>
      %slice3A_854 = vector.extract_strided_slice %get3A_17 {offsets = [14], sizes = [1], strides = [1]} : vector<16xi32> to vector<1xi32>
      %squeeze3A_855 = vector.extract %slice3A_854[0] : i32 from vector<1xi32>
      %and3A_856 = arith.constant 127 : i32
      %and3A_857 = arith.andi %squeeze3A_853, %and3A_856 : i32
      %broadcast_in_dim3A_858 = vector.broadcast %and3A_857 : i32 to vector<16xi32>
      %and3A_859 = arith.constant 127 : i32
      %and3A_860 = arith.andi %squeeze3A_855, %and3A_859 : i32
      %broadcast_in_dim3A_861 = vector.broadcast %and3A_860 : i32 to vector<16xi32>
      %gather3A_862 = tpu.vector_load_idx %arg16[%iota3A_3, %broadcast_in_dim3A_858] : memref<32x128xf32, #tpu.memory_space<vmem>>[vector<16xi32>, vector<16xi32>], vector<16xf32>,
      %gather3A_863 = tpu.vector_load_idx %arg16[%add3A_6, %broadcast_in_dim3A_858] : memref<32x128xf32, #tpu.memory_space<vmem>>[vector<16xi32>, vector<16xi32>], vector<16xf32>,
      %gather3A_864 = tpu.vector_load_idx %arg24[%iota3A_3, %broadcast_in_dim3A_861] : memref<32x128xf32, #tpu.memory_space<vmem>>[vector<16xi32>, vector<16xi32>], vector<16xf32>,
      %gather3A_865 = tpu.vector_load_idx %arg24[%add3A_6, %broadcast_in_dim3A_861] : memref<32x128xf32, #tpu.memory_space<vmem>>[vector<16xi32>, vector<16xi32>], vector<16xf32>,
      %mul3A_866 = arith.mulf %gather3A_862, %gather3A_864 : vector<16xf32>
      %mul3A_867 = arith.mulf %gather3A_863, %gather3A_865 : vector<16xf32>
      %add3A_868 = arith.addf %mul3A_866, %mul3A_867 : vector<16xf32>
      %reduce_sum3A_869 = arith.constant true
      %reduce_sum3A_870 = vector.broadcast %reduce_sum3A_869 : i1 to vector<16xi1>
      %reduce_sum3A_871 = tpu.scan <sum>, %add3A_868 masked %reduce_sum3A_870 : vector<16xf32>, vector<16xi1> -> vector<16xf32>
      %reduce_sum3A_872 = vector.extract %reduce_sum3A_871[15] : f32 from vector<16xf32>
      %eq3A_873 = arith.constant 14 : i32
      %eq3A_874 = vector.broadcast %eq3A_873 : i32 to vector<16xi32>
      %eq3A_875 = arith.cmpi eq, %iota3A, %eq3A_874 : vector<16xi32>
      %broadcast_in_dim3A_876 = vector.broadcast %reduce_sum3A_872 : f32 to vector<16xf32>
      %select_n3A_877 = arith.select %eq3A_875, %broadcast_in_dim3A_876, %select_n3A_851 : vector<16xi1>, vector<16xf32>
      %slice3A_878 = vector.extract_strided_slice %get3A_15 {offsets = [15], sizes = [1], strides = [1]} : vector<16xi32> to vector<1xi32>
      %squeeze3A_879 = vector.extract %slice3A_878[0] : i32 from vector<1xi32>
      %slice3A_880 = vector.extract_strided_slice %get3A_17 {offsets = [15], sizes = [1], strides = [1]} : vector<16xi32> to vector<1xi32>
      %squeeze3A_881 = vector.extract %slice3A_880[0] : i32 from vector<1xi32>
      %and3A_882 = arith.constant 127 : i32
      %and3A_883 = arith.andi %squeeze3A_879, %and3A_882 : i32
      %broadcast_in_dim3A_884 = vector.broadcast %and3A_883 : i32 to vector<16xi32>
      %and3A_885 = arith.constant 127 : i32
      %and3A_886 = arith.andi %squeeze3A_881, %and3A_885 : i32
      %broadcast_in_dim3A_887 = vector.broadcast %and3A_886 : i32 to vector<16xi32>
      %gather3A_888 = tpu.vector_load_idx %arg17[%iota3A_3, %broadcast_in_dim3A_884] : memref<32x128xf32, #tpu.memory_space<vmem>>[vector<16xi32>, vector<16xi32>], vector<16xf32>,
      %gather3A_889 = tpu.vector_load_idx %arg17[%add3A_6, %broadcast_in_dim3A_884] : memref<32x128xf32, #tpu.memory_space<vmem>>[vector<16xi32>, vector<16xi32>], vector<16xf32>,
      %gather3A_890 = tpu.vector_load_idx %arg25[%iota3A_3, %broadcast_in_dim3A_887] : memref<32x128xf32, #tpu.memory_space<vmem>>[vector<16xi32>, vector<16xi32>], vector<16xf32>,
      %gather3A_891 = tpu.vector_load_idx %arg25[%add3A_6, %broadcast_in_dim3A_887] : memref<32x128xf32, #tpu.memory_space<vmem>>[vector<16xi32>, vector<16xi32>], vector<16xf32>,
      %mul3A_892 = arith.mulf %gather3A_888, %gather3A_890 : vector<16xf32>
      %mul3A_893 = arith.mulf %gather3A_889, %gather3A_891 : vector<16xf32>
      %add3A_894 = arith.addf %mul3A_892, %mul3A_893 : vector<16xf32>
      %reduce_sum3A_895 = arith.constant true
      %reduce_sum3A_896 = vector.broadcast %reduce_sum3A_895 : i1 to vector<16xi1>
      %reduce_sum3A_897 = tpu.scan <sum>, %add3A_894 masked %reduce_sum3A_896 : vector<16xf32>, vector<16xi1> -> vector<16xf32>
      %reduce_sum3A_898 = vector.extract %reduce_sum3A_897[15] : f32 from vector<16xf32>
      %eq3A_899 = arith.constant 15 : i32
      %eq3A_900 = vector.broadcast %eq3A_899 : i32 to vector<16xi32>
      %eq3A_901 = arith.cmpi eq, %iota3A, %eq3A_900 : vector<16xi32>
      %broadcast_in_dim3A_902 = vector.broadcast %reduce_sum3A_898 : f32 to vector<16xf32>
      %select_n3A_903 = arith.select %eq3A_901, %broadcast_in_dim3A_902, %select_n3A_877 : vector<16xi1>, vector<16xf32>
      %swap3A = arith.index_cast %multiple_of3A : i32 to index
      %swap3A_904 = tpu.vector_load %arg9[%swap3A] {strides = array<i32>} : memref<512xf32, #tpu.memory_space<vmem>>, vector<16xf32>,
      tpu.vector_store %arg9[%swap3A], %select_n3A_903 {strides = array<i32>} : memref<512xf32, #tpu.memory_space<vmem>>, vector<16xf32>,
    }
    %scan3A_11 = arith.constant 32 : i32
    "tpu.region"() ({
      %run_scoped3A = tpu.sem_alloc : memref<!tpu.dma_semaphore, #tpu.memory_space<semaphore_mem>>
      %dma_start3A = tpu.memref_slice %arg6[%mul3A_2] : memref<16384xf32, #tpu.memory_space<hbm>> -> memref<512xf32, #tpu.memory_space<hbm>>
      %dma_start3A_12 = tpu.memref_slice %arg6[%mul3A_2] : memref<16384xf32, #tpu.memory_space<hbm>> -> memref<512xf32, #tpu.memory_space<hbm>>
      tpu.enqueue_dma source(%arg9 : memref<512xf32, #tpu.memory_space<vmem>>) target(%dma_start3A_12 : memref<512xf32, #tpu.memory_space<hbm>>) target_semaphore(%run_scoped3A : memref<!tpu.dma_semaphore, #tpu.memory_space<semaphore_mem>>)
      %dma_wait3A = tpu.memref_slice %arg6[%mul3A_2] : memref<16384xf32, #tpu.memory_space<hbm>> -> memref<512xf32, #tpu.memory_space<hbm>>
      %dma_wait3A_13 = tpu.memref_slice %arg6[%mul3A_2] : memref<16384xf32, #tpu.memory_space<hbm>> -> memref<512xf32, #tpu.memory_space<hbm>>
      tpu.wait_dma2 semaphore(%run_scoped3A : memref<!tpu.dma_semaphore, #tpu.memory_space<semaphore_mem>>) src(%arg9 : memref<512xf32, #tpu.memory_space<vmem>>) dst(%dma_wait3A_13 : memref<512xf32, #tpu.memory_space<hbm>>)
      tpu.yield
    }) : () -> ()
    return
  }
}

</mosaic_0001>

<sc_bundles>
// kernel: _run.3.cloned.1.call-start
scs
__scs_entry_jumppad:
0x0: {  	(pc) =	sbr.rel $0x88, $3  }
0x1: {  	(tag) =	ssettag $0x0;
	lr =	simm.s32 $0x1  }
0x2: {  	[smem:$0x3F9D] =	sst lr;
	_ =	strace $0xD0000000  }
0x3: {  	_ = 	snop  }
0x4: {  	_ = 	snop  }
0x5: {  	_ = 	snop  }
0x6: {  	_ = 	snop  }
0x7: {  	_ = 	snop  }
__scs_overlays_trampoline_lowered:
0x8: {  	[smem:$0x3FAC] =	sst s0  }
0x9: {  	[smem:$0x3FAD] =	sst s1  }
0xa: {  	[smem:$0x3FAE] =	sst s2  }
0xb: {  	[smem:$0x3FAF] =	sst s3  }
0xc: {  	[smem:$0x3FB0] =	sst s4  }
0xd: {  	[smem:$0x3FB1] =	sst s5  }
0xe: {  	[smem:$0x3FB2] =	sst s6  }
0xf: {  	[smem:$0x3FB3] =	sst s7  }
0x10: {  	[smem:$0x3FB4] =	sst s8  }
0x11: {  	[smem:$0x3FB5] =	sst s9;
	s0 =	simm.s32 @!p0 $0x0  }
0x12: {  	s1 =	sld [smem:$0x3F9B];
	s0 =	simm.s32 @p0 $0x1  }
0x13: {  	[smem:$0x3FB6] =	sst s0;
	s0 =	simm.s32 @!p1 $0x0  }
0x14: {  	s2 =	sld [smem:$0x3F9A];
	s0 =	simm.s32 @p1 $0x1  }
0x15: {  	[smem:$0x3FB7] =	sst s0;
	s0 =	simm.s32 @!p2 $0x0  }
0x16: {  	s3 =	sld [smem:$0x3FDB];
	s0 =	simm.s32 @p2 $0x1  }
0x17: {  	s4 =	simm.s32 $0x1BF5;
	[smem:$0x3FB9] =	sst s0  }
0x18: {  	s0 =	sld [smem:$0x3F9C];
	_ =	swait.ge [sflag:s4], $0x0  }
0x19: {  	s7 =	sld [smem:$0x3F9D]  }
0x1a: {  	s8 =	sadd.s32 $0xFFFFE003, lr  }
0x1b: {  	s9 =	sadd.s32 $0xFFFFFEF7, lr;
	s5 =	simm.s32 $0xFFFFFFFF;
	p2 =	slt.u32 s8, $0xFFFFF086  }
0x1c: {  	p1 =	slt.u32 s9, $0xF7A;
	s5 =	simm.s32 @!p2 $0x0  }
0x1d: {  	s5 =	simm.s32 @p1 $0x1;
	p0 =	seq.s32 s7, s2  }
0x1e: {  	s7 =	smul.u32 @!p0 $0xF7A, s2;
	p2 =	seq.s32 @!p0 s5, $0x0  }
0x1f: {  	s9 =	smul.u32 $0xF7A, s1;
	s8 =	simm.s32 @!p0 $0x1BF5;
	p2 =	por !p2, p0  }
0x20: {  	[sflag:s8] =	ssyncset.s32 @!p0 $0xFFFFF086;
	s6 =	sadd.s32 @!p0 s3, s7;
	s7 =	simm.s32 @!p0 $0x108  }
0x21: {  	s3 =	sadd.s32 s3, s9;
	s6 =	sadd.s32 @!p0 $0x88, s6;
	s7 =	simm.s32 @p2 $0x1082  }
0x22: {  	[simem:s7], [sflag:s8] =	dma.local @!p0 [hbm:s6], $0xF7A  }
0x23: {  	s9 =	sor.u32 $0xD0000000, s2;
	s6 =	simm.s32 $0x108;
	_ =	swait.ge @!p0 [sflag:s8], $0x0  }
0x24: {  	s3 =	sadd.s32 $0x88, s3;
	s6 =	simm.s32 @!p1 $0x1082;
	[sflag:s4] =	ssyncset.s32 $0xFFFFF086  }
0x25: {  	[simem:s6], [sflag:s4] =	dma.local [hbm:s3], $0xF7A  }
0x26: {  	[smem:$0x3F9D] =	sst s1;
	(tag) =	ssettag s2;
	_ =	strace s9  }
0x27: {  	s1 =	sld [smem:$0x3FAD]  }
0x28: {  	s2 =	sld [smem:$0x3FAE]  }
0x29: {  	s4 =	sld [smem:$0x3FB0]  }
0x2a: {  	p0 =	seq.s32 s5, $0x0;
	s5 =	sld [smem:$0x3FB1]  }
0x2b: {  	s6 =	sld [smem:$0x3FB2]  }
0x2c: {  	s7 =	sld [smem:$0x3FB3]  }
0x2d: {  	s3 =	simm.s32 $0x108;
	s8 =	sld [smem:$0x3FB4]  }
0x2e: {  	s3 =	simm.s32 @!p0 $0x1082;
	s9 =	sld [smem:$0x3FB5]  }
0x2f: {  	lr =	sadd.s32 s0, s3;
	s0 =	sld [smem:$0x3FAC]  }
0x30: {  	s3 =	sld [smem:$0x3FAF]  }
0x31: {  	[smem:$0x3FB8] =	sst s10  }
0x32: {  	s10 =	sld [smem:$0x3FB6];
	_ =	sdelay $0x3  }
0x33: {  	p0 =	seq.s32 s10, $0x1;
	s10 =	sld [smem:$0x3FB8];
	_ =	sdelay $0x3  }
0x34: {  	[smem:$0x3FB8] =	sst s10  }
0x35: {  	s10 =	sld [smem:$0x3FB7];
	_ =	sdelay $0x3  }
0x36: {  	p1 =	seq.s32 s10, $0x1;
	s10 =	sld [smem:$0x3FB8];
	_ =	sdelay $0x3  }
0x37: {  	[smem:$0x3FB8] =	sst s10  }
0x38: {  	s10 =	sld [smem:$0x3FB9]  }
0x39: {  	_ = 	snop;
	(pc) =	sbr.ind lr, $3  }
0x3a: {  	_ = 	snop  }
0x3b: {  	_ = 	snop  }
0x3c: {  	p2 =	seq.s32 s10, $0x1;
	s10 =	sld [smem:$0x3FB8]  }
0x3d: {  	_ =	shalt  }
0x3e: {  	_ =	shalt  }
0x3f: {  	_ =	shalt  }
0x40: {  	_ =	shalt  }
0x41: {  	_ =	shalt  }
0x42: {  	_ =	shalt  }
0x43: {  	_ =	shalt  }
0x44: {  	_ =	shalt  }
0x45: {  	_ =	shalt  }
0x46: {  	_ =	shalt  }
0x47: {  	_ =	shalt  }
0x48: {  	_ =	shalt  }
0x49: {  	_ =	shalt  }
0x4a: {  	_ =	shalt  }
0x4b: {  	_ =	shalt  }
0x4c: {  	_ =	shalt  }
0x4d: {  	_ =	shalt  }
0x4e: {  	_ =	shalt  }
0x4f: {  	_ =	shalt  }
0x50: {  	_ =	shalt  }
0x51: {  	_ =	shalt  }
0x52: {  	_ =	shalt  }
0x53: {  	_ =	shalt  }
0x54: {  	_ =	shalt  }
0x55: {  	_ =	shalt  }
0x56: {  	_ =	shalt  }
0x57: {  	_ =	shalt  }
0x58: {  	_ =	shalt  }
0x59: {  	_ =	shalt  }
0x5a: {  	_ =	shalt  }
0x5b: {  	_ =	shalt  }
0x5c: {  	_ =	shalt  }
0x5d: {  	_ =	shalt  }
0x5e: {  	_ =	shalt  }
0x5f: {  	_ =	shalt  }
0x60: {  	_ =	shalt  }
0x61: {  	_ =	shalt  }
0x62: {  	_ =	shalt  }
0x63: {  	_ =	shalt  }
0x64: {  	_ =	shalt  }
0x65: {  	_ =	shalt  }
0x66: {  	_ =	shalt  }
0x67: {  	_ =	shalt  }
0x68: {  	_ =	shalt  }
0x69: {  	_ =	shalt  }
0x6a: {  	_ =	shalt  }
0x6b: {  	_ =	shalt  }
0x6c: {  	_ =	shalt  }
0x6d: {  	_ =	shalt  }
0x6e: {  	_ =	shalt  }
0x6f: {  	_ =	shalt  }
0x70: {  	_ =	shalt  }
0x71: {  	_ =	shalt  }
0x72: {  	_ =	shalt  }
0x73: {  	_ =	shalt  }
0x74: {  	_ =	shalt  }
0x75: {  	_ =	shalt  }
0x76: {  	_ =	shalt  }
0x77: {  	_ =	shalt  }
0x78: {  	_ =	shalt  }
0x79: {  	_ =	shalt  }
0x7a: {  	_ =	shalt  }
0x7b: {  	_ =	shalt  }
0x7c: {  	_ =	shalt  }
0x7d: {  	_ =	shalt  }
0x7e: {  	_ =	shalt  }
0x7f: {  	_ =	shalt  }
0x80: {  	_ =	shalt  }
0x81: {  	_ =	shalt  }
0x82: {  	_ =	shalt  }
0x83: {  	_ =	shalt  }
0x84: {  	_ =	shalt  }
0x85: {  	_ =	shalt  }
0x86: {  	_ =	shalt  }
0x87: {  	_ =	shalt  }
.Lfunc_end0:
.L_simem_size_0:
called_computation_lowered:
.L_overlay_start_0:
0x88: {  	s2 =	sld [smem:$0x3FD9]  }
0x89: {  	s3 =	sld [smem:$0x3FFE];
	_ =	sdelay $0x1  }
0x8a: {  	s1 =	srdreg.scid  }
0x8b: {  	s0 =	sand.u32 $0x1, s1  }
0x8c: {  	s18 =	sshll.u32 s0, $0xA;
	s2 =	sadd.s32 s3, s2  }
0x8d: {  	s2 =	sadd.s32 s2, s18  }
0x8e: {  	[smem:$0x3FC4] =	sst s2  }
0x8f: {  	_ = 	snop  }
0x90: {  	s2 =	sld [smem:$0x3FC9]  }
0x91: {  	s19 =	sld [smem:$0x3FC8]  }
0x92: {  	s4 =	sld [smem:$0x3FC7]  }
0x93: {  	s5 =	sld [smem:$0x3FC6]  }
0x94: {  	s6 =	sld [smem:$0x3FD0];
	(tm) =	ssettm $0x1  }
0x95: {  	s7 =	sld [smem:$0x3FFB];
	_ =	sdelay $0x3  }
0x96: {  	_ =	strace s7  }
0x97: {  	s7 =	sld [smem:$0x3FFC];
	_ =	sdelay $0x3  }
0x98: {  	_ =	strace s7  }
0x99: {  	s7 =	sld [smem:$0x3FFD];
	_ =	sdelay $0x3  }
0x9a: {  	_ =	strace s7  }
0x9b: {  	_ =	strace $0x8FFFFFFF  }
0x9c: {  	s20 =	sld [smem:$0x3FDB];
	_ =	sdelay $0x1  }
0x9d: {  	s8 =	simm.s32 $_scs_section_size  }
0x9e: {  	s9 =	simm.s32 $_size__tile_overlayer_lowered;
	s10 =	simm.s32 $_tile_overlayer_lowered  }
0x9f: {  	s23 =	simm.s32 $0x1BFF;
	s22 =	sshll.u32 s10, $0x1;
	s7 =	sadd.s32 s8, s20  }
0xa0: {  	s11 =	simm.s32 $0x0;
	s21 =	sshll.u32 s9, $0x1;
	s9 =	sadd.s32 s22, s7  }
0xa1: {  	[timem:s11], [sflag:s23] =	dma.local [hbm:s9], s21  }
0xa2: {  	_ =	swait.ge [sflag:s23], s21  }
0xa3: {  	s8 =	ssub.s32 $0x0, s21;
	[sflag:s23] =	ssyncset.done $0x0  }
0xa4: {  	[sflag:s23] =	ssyncadd.s32 s8;
	_ =	sdelay $0x1  }
0xa5: {  	s24 =	simm.s32 $0x1B8B  }
0xa6: {  	_ =	swait.ge [sflag:s24], $0x1  }
0xa7: {  	[sflag:s24] =	ssyncset.done $0x0  }
0xa8: {  	s25 =	simm.s32 $0x1B8E;
	[sflag:s24] =	ssyncadd.s32 $0xFFFFFFFF  }
0xa9: {  	s26 =	simm.s32 $execute0_lowered;
	[smem:$0x3FD2] =	sst s25  }
0xaa: {  	s8 =	sshll.u32 s26, $0x1;
	_ =	strace $0x80000046;
	[dreg:$0x1] =	wrdreg $0xFFFFFFFF  }
0xab: {  	s28 =	simm.s32 $_size_execute0_lowered;
	s7 =	sadd.s32 s7, s8;
	[dreg:$0x0] =	wrdreg $0x0  }
0xac: {  	s8 =	sshll.u32 s28, $0x1;
	[dreg:$0x2] =	wrdreg s7  }
0xad: {  	[dreg:$0x3] =	wrdreg s8  }
0xae: {  	[dreg:$0x4] =	wrdreg $0xC0  }
0xaf: {  	_ =	task [dreg:s11], $0x5FFFF  }
0xb0: {  	[dreg:$0x1] =	wrdreg $0xFFFFFFFF  }
0xb1: {  	[dreg:$0x0] =	wrdreg $0x60  }
0xb2: {  	[dreg:$0x2] =	wrdreg s2  }
0xb3: {  	[dreg:$0x3] =	wrdreg s19  }
0xb4: {  	[dreg:$0x4] =	wrdreg s4  }
0xb5: {  	[dreg:$0x5] =	wrdreg s5  }
0xb6: {  	[dreg:$0x6] =	wrdreg s6  }
0xb7: {  	[dreg:$0x7] =	wrdreg $0x9  }
0xb8: {  	_ =	task.clear_ibuf [dreg:s11], $0x8FFFF;
	_ =	strace $0x90000046  }
0xb9: {  	s29 =	simm.s32 $0x9;
	_ =	strace $0x80000048  }
0xba: {  	_ =	swait.ge [sflag:s29], $0x1  }
0xbb: {  	[sflag:s29] =	ssyncadd.s32 $0xFFFFFFFF  }
0xbc: {  	_ =	strace $0x90000048  }
0xbd: {  	_ =	sfence  }
0xbe: {  	s30 =	sld [smem:$0x0];
	_ =	sdelay $0x2  }
0xbf: {  	s31 =	sshll.u32 s1, $0xD;
	s1 =	sshrl.u32 s1, $0x2  }
0xc0: {  	s3 =	sand.u32 $0x4000, s31;
	s1 =	sadd.s32 s1, s30  }
0xc1: {  	s0 =	sor.u32 s3, s0;
	s1 =	sshll.u32 s1, $0x11  }
0xc2: {  	s0 =	sor.u32 s1, s0  }
0xc3: {  	s0 =	sadd.s32 $0x8F2B, s0  }
0xc4: {  	[sflag:s0] =	ssyncadd.remote.s32 $0x1  }
0xc5: {  	_ =	sfence.sel $0xFFFF  }
0xc6: {  	[dreg:$0x0] =	wrdreg $0xFFFFFFFF;
	(pc) =	sbr.abs _section_cstart, $3  }
0xc7: {  	[dreg:$0x1] =	wrdreg $0xFFFFFFFF  }
0xc8: {  	_ =	task.clear_ibuf [dreg:s11], $0x2FFFF;
	_ =	strace $0x9FFFFFFF  }
0xc9: {  	(tm) =	ssettm $0x7FFFFFFF  }
tec
execute0_lowered:
.L_overlay_start_1:
0x0: {  	(tag) =	ssettag $0x1  }
0x1: {  	s0 =	rddreg [dreg:$0x0]  }
0x2: {  	s3 =	rddreg [dreg:$0x1]  }
0x3: {  	s1 =	rddreg [dreg:$0x2]  }
0x4: {  	s2 =	rddreg [dreg:$0x3]  }
0x5: {  	s4 =	rddreg [dreg:$0x4]  }
0x6: {  	s5 =	srdreg.scid;
	s9 =	simm.s32 $0x0;
	s8 =	stileid.u32  }
0x7: {  	s11 =	simm.s32 $0x400;
	s12 =	simm.s32 $0x7A1400;
	s14 =	simm.s32 $0xC3800  }
0x8: {  	s13 =	simm.s32 $0x9600;
	s23 =	simm.s32 $0x2600;
	s15 =	simm.s32 $0xA600  }
0x9: {  	s16 =	simm.s32 $0x3600;
	s24 =	simm.s32 $0xB600;
	s10 =	simm.s32 $0x4600  }
0xa: {  	s28 =	simm.s32 $0xD600;
	s29 =	simm.s32 $0x6600;
	s5 =	sand.u32 $0x1, s5  }
0xb: {  	s31 =	simm.s32 $0x1;
	[smem:$0x7FF] =	sst s9;
	s6 =	ssub.s32 $0x2, s5  }
0xc: {  	s8 =	sshll.u32 s8, $0x7;
	s5 =	sshll.u32 s5, $0x6;
	s7 =	sshrl.u32 s6, $0x1  }
0xd: {  	v0 =	vlaneseq.u32;
	vm0 =	vmmov $0x1;
	vm1 =	vmmov $0x3;
	_ =	strace $0x80000047;
	s5 =	sor.u32 s5, s8;
	s6 =	ssub.s32 s6, s7  }
0xe: {  	vm2 =	vmmov $0x7;
	vm3 =	vmmov $0xf;
	vm4 =	vmmov $0x1f;
	s0 =	sadd.s32 s0, s5;
	s25 =	sadd.s32 s3, s5;
	s26 =	sadd.s32 s4, s5  }
0xf: {  	vm5 =	vmmov $0x3f;
	vm6 =	vmmov $0x7f;
	vm7 =	vmmov $0xff;
	s3 =	simm.s32 $0x2;
	s5 =	simm.s32 $0x8600;
	[dreg:$0x6] =	wrdreg s0  }
0x10: {  	vm8 =	vmmov $0x1ff;
	vm9 =	vmmov $0x3ff;
	v0 =	vmul.u32 $0x80, v0;
	s7 =	simm.s32 $0x1600;
	s4 =	simm.s32 $0x0;
	[dreg:$0x7] =	wrdreg s25  }
0x11: {  	vm10 =	vmmov $0x7ff;
	vm11 =	vmmov $0xfff;
	vm12 =	vmmov $0x1fff;
	[dreg:$0x8] =	wrdreg s26;
	s30 =	smax.u32 s6, $0x1;
	s6 =	simm.s32 $0x600  }
0x12: {  	vm13 =	vmmov $0x3fff;
	vm14 =	vmmov $0x7fff;
	v1 =	vor.u32 $0x800, v0;
	s25 =	simm.s32 $0xC600;
	s26 =	simm.s32 $0x5600;
	[dreg:$0x9] =	wrdreg s30  }
.LBB2_1:
0x13: {  	[dreg:$0xa] =	wrdreg s4  }
0x14: {  	s0 =	rddreg [dreg:$0x6]  }
0x15: {  	[tilespmem:s9], [sflag:$0x2] =	stream.linear.gather [hbm4b:s0+s9], $0x200, $0x38;
	[tilespmem:$0x10600] =	vst v63  }
0x16: {  	_ =	swait.ge [sflag:s3], $0x200  }
0x17: {  	[sflag:s3] =	ssyncset.done $0x0  }
0x18: {  	s30 =	simm.s32 $0x200;
	s22 =	rddreg [dreg:$0x7];
	[sflag:s3] =	ssyncadd.s32 $0xFFFFFE00  }
0x19: {  	[tilespmem:s30], [sflag:$0x2] =	stream.linear.gather [hbm4b:s22+s9], $0x200, $0x38;
	[tilespmem:$0x10600] =	vst v63  }
0x1a: {  	_ =	swait.ge [sflag:s3], $0x200  }
0x1b: {  	[sflag:s3] =	ssyncset.done $0x0  }
0x1c: {  	[sflag:s3] =	ssyncadd.s32 $0xFFFFFE00;
	s3 =	simm.s32 $0x0  }
.LBB2_2:
0x1d: {  	s0 =	sshra.s32 s3, $0x2  }
0x1e: {  	v3 =	vld [tilespmem:s0+$0x0]  }
0x1f: {  	v2 =	vld [tilespmem:s0+$0x200];
	_ =	sdelay $0x3  }
0x20: {  	(v2sf) =	vpush v3, $0x0  }
0x21: {  	(v2sf) =	vpush v2, $0x0;
	_ =	sdelay $0x2  }
0x22: {  	(v2sf) =	vpush v3, $0x1  }
0x23: {  	(v2sf) =	vpush v2, $0x1;
	_ =	sdelay $0x1  }
0x24: {  	(v2sf) =	vpush v3, $0x2;
	_ =	sdelay $0x3  }
0x25: {  	(v2sf) =	vpush v2, $0x2;
	_ =	sdelay $0x3  }
0x26: {  	s17 =	spop (v2sf)  }
0x27: {  	s9 =	sand.u32 $0xFFFFF80, s17;
	s8 =	spop (v2sf)  }
0x28: {  	[dreg:$0xb] =	wrdreg s0;
	(v2sf) =	vpush v3, $0x3;
	s0 =	sadd.s32 s1, s9;
	s18 =	sand.u32 $0xFFFFF80, s8  }
0x29: {  	[tilespmem:s6], [sflag:$0x1] =	stream.strided.gather [hbm4b:s0+s11], $0x1000, s12, s11, $0x38;
	[tilespmem:$0x10600] =	vst v63  }
0x2a: {  	s0 =	sadd.s32 s2, s18;
	s18 =	spop (v2sf);
	(v2sf) =	vpush v2, $0x3  }
0x2b: {  	s19 =	sand.u32 $0xFFFFF80, s18;
	s9 =	spop (v2sf)  }
0x2c: {  	(v2sf) =	vpush v3, $0x4;
	[tilespmem:s5], [sflag:$0x1] =	stream.strided.gather [hbm4b:s0+s11], $0x1000, s14, s11, $0x38;
	[tilespmem:$0x10600] =	vst v63  }
0x2d: {  	s0 =	sadd.s32 s1, s19;
	s20 =	sand.u32 $0xFFFFF80, s9;
	s19 =	spop (v2sf);
	(v2sf) =	vpush v2, $0x4  }
0x2e: {  	[tilespmem:s7], [sflag:$0x1] =	stream.strided.gather [hbm4b:s0+s11], $0x1000, s12, s11, $0x38;
	[tilespmem:$0x10600] =	vst v63  }
0x2f: {  	s0 =	sadd.s32 s2, s20  }
0x30: {  	[tilespmem:s13], [sflag:$0x1] =	stream.strided.gather [hbm4b:s0+s11], $0x1000, s14, s11, $0x38;
	[tilespmem:$0x10600] =	vst v63  }
0x31: {  	s13 =	spop (v2sf);
	(v2sf) =	vpush v3, $0x5  }
0x32: {  	s21 =	sand.u32 $0xFFFFF80, s19  }
0x33: {  	s0 =	sadd.s32 s1, s21;
	s22 =	sand.u32 $0xFFFFF80, s13  }
0x34: {  	[tilespmem:s23], [sflag:$0x1] =	stream.strided.gather [hbm4b:s0+s11], $0x1000, s12, s11, $0x38;
	[tilespmem:$0x10600] =	vst v63  }
0x35: {  	s0 =	sadd.s32 s2, s22  }
0x36: {  	[tilespmem:s15], [sflag:$0x1] =	stream.strided.gather [hbm4b:s0+s11], $0x1000, s14, s11, $0x38;
	[tilespmem:$0x10600] =	vst v63  }
0x37: {  	s20 =	spop (v2sf);
	(v2sf) =	vpush v2, $0x5  }
0x38: {  	s23 =	sand.u32 $0xFFFFF80, s20  }
0x39: {  	s15 =	spop (v2sf);
	s0 =	sadd.s32 s1, s23;
	(v2sf) =	vpush v3, $0x6  }
0x3a: {  	[tilespmem:s16], [sflag:$0x1] =	stream.strided.gather [hbm4b:s0+s11], $0x1000, s12, s11, $0x38;
	[tilespmem:$0x10600] =	vst v63  }
0x3b: {  	s30 =	sand.u32 $0xFFFFF80, s15;
	s21 =	spop (v2sf);
	(v2sf) =	vpush v2, $0x6  }
0x3c: {  	s0 =	sadd.s32 s2, s30;
	s4 =	sand.u32 $0xFFFFF80, s21;
	s16 =	spop (v2sf);
	(v2sf) =	vpush v3, $0x7  }
0x3d: {  	[tilespmem:s24], [sflag:$0x1] =	stream.strided.gather [hbm4b:s0+s11], $0x1000, s14, s11, $0x38;
	[tilespmem:$0x10600] =	vst v63  }
0x3e: {  	s0 =	sadd.s32 s1, s4  }
0x3f: {  	[tilespmem:s10], [sflag:$0x1] =	stream.strided.gather [hbm4b:s0+s11], $0x1000, s12, s11, $0x38;
	[tilespmem:$0x10600] =	vst v63  }
0x40: {  	s5 =	sand.u32 $0xFFFFF80, s16;
	s22 =	spop (v2sf);
	(v2sf) =	vpush v2, $0x7  }
0x41: {  	s0 =	sadd.s32 s2, s5  }
0x42: {  	[tilespmem:s25], [sflag:$0x1] =	stream.strided.gather [hbm4b:s0+s11], $0x1000, s14, s11, $0x38;
	[tilespmem:$0x10600] =	vst v63  }
0x43: {  	s6 =	sand.u32 $0xFFFFF80, s22  }
0x44: {  	s0 =	sadd.s32 s1, s6  }
0x45: {  	[tilespmem:s26], [sflag:$0x1] =	stream.strided.gather [hbm4b:s0+s11], $0x1000, s12, s11, $0x38;
	[tilespmem:$0x10600] =	vst v63  }
0x46: {  	s7 =	spop (v2sf)  }
0x47: {  	s10 =	sand.u32 $0xFFFFF80, s7  }
0x48: {  	s0 =	sadd.s32 s2, s10;
	s6 =	spop (v2sf)  }
0x49: {  	[tilespmem:s28], [sflag:$0x1] =	stream.strided.gather [hbm4b:s0+s11], $0x1000, s14, s11, $0x38;
	[tilespmem:$0x10600] =	vst v63  }
0x4a: {  	s23 =	sand.u32 $0xFFFFF80, s6;
	s4 =	spop (v2sf)  }
0x4b: {  	s0 =	sadd.s32 s1, s23;
	s25 =	sand.u32 $0xFFFFF80, s4;
	s5 =	spop (v2sf)  }
0x4c: {  	[tilespmem:s29], [sflag:$0x1] =	stream.strided.gather [hbm4b:s0+s11], $0x1000, s12, s11, $0x38;
	[tilespmem:$0x10600] =	vst v63  }
0x4d: {  	s26 =	simm.s32 $0xE600;
	s0 =	sadd.s32 s2, s25;
	s30 =	sand.u32 $0xFFFFF80, s5  }
0x4e: {  	[tilespmem:s26], [sflag:$0x1] =	stream.strided.gather [hbm4b:s0+s11], $0x1000, s14, s11, $0x38;
	[tilespmem:$0x10600] =	vst v63  }
0x4f: {  	s23 =	sadd.s32 s1, s30;
	s30 =	simm.s32 $0x7600;
	s0 =	spop (v2sf)  }
0x50: {  	[tilespmem:s30], [sflag:$0x1] =	stream.strided.gather [hbm4b:s23+s11], $0x1000, s12, s11, $0x38;
	[tilespmem:$0x10600] =	vst v63  }
0x51: {  	s30 =	sand.u32 $0xFFFFF80, s0  }
0x52: {  	s23 =	sadd.s32 s2, s30;
	s30 =	simm.s32 $0xF600  }
0x53: {  	[tilespmem:s30], [sflag:$0x1] =	stream.strided.gather [hbm4b:s23+s11], $0x1000, s14, s11, $0x38;
	[tilespmem:$0x10600] =	vst v63  }
0x54: {  	_ =	swait.ge [sflag:s31], $0x1000  }
0x55: {  	[sflag:s31] =	ssyncset.done $0x0  }
0x56: {  	[sflag:s31] =	ssyncadd.s32 $0xFFFFF000  }
0x57: {  	_ =	swait.ge [sflag:s31], $0x1000  }
0x58: {  	[sflag:s31] =	ssyncset.done $0x0  }
0x59: {  	[sflag:s31] =	ssyncadd.s32 $0xFFFFF000  }
0x5a: {  	_ =	swait.ge [sflag:s31], $0x1000  }
0x5b: {  	[sflag:s31] =	ssyncset.done $0x0  }
0x5c: {  	[sflag:s31] =	ssyncadd.s32 $0xFFFFF000  }
0x5d: {  	_ =	swait.ge [sflag:s31], $0x1000  }
0x5e: {  	[sflag:s31] =	ssyncset.done $0x0  }
0x5f: {  	[sflag:s31] =	ssyncadd.s32 $0xFFFFF000  }
0x60: {  	_ =	swait.ge [sflag:s31], $0x1000  }
0x61: {  	[sflag:s31] =	ssyncset.done $0x0  }
0x62: {  	[sflag:s31] =	ssyncadd.s32 $0xFFFFF000  }
0x63: {  	_ =	swait.ge [sflag:s31], $0x1000  }
0x64: {  	[sflag:s31] =	ssyncset.done $0x0  }
0x65: {  	[sflag:s31] =	ssyncadd.s32 $0xFFFFF000  }
0x66: {  	_ =	swait.ge [sflag:s31], $0x1000  }
0x67: {  	[sflag:s31] =	ssyncset.done $0x0  }
0x68: {  	[sflag:s31] =	ssyncadd.s32 $0xFFFFF000  }
0x69: {  	_ =	swait.ge [sflag:s31], $0x1000  }
0x6a: {  	[sflag:s31] =	ssyncset.done $0x0  }
0x6b: {  	[sflag:s31] =	ssyncadd.s32 $0xFFFFF000  }
0x6c: {  	_ =	swait.ge [sflag:s31], $0x1000  }
0x6d: {  	[sflag:s31] =	ssyncset.done $0x0  }
0x6e: {  	[sflag:s31] =	ssyncadd.s32 $0xFFFFF000  }
0x6f: {  	_ =	swait.ge [sflag:s31], $0x1000  }
0x70: {  	[sflag:s31] =	ssyncset.done $0x0  }
0x71: {  	[sflag:s31] =	ssyncadd.s32 $0xFFFFF000  }
0x72: {  	_ =	swait.ge [sflag:s31], $0x1000  }
0x73: {  	[sflag:s31] =	ssyncset.done $0x0  }
0x74: {  	[sflag:s31] =	ssyncadd.s32 $0xFFFFF000  }
0x75: {  	_ =	swait.ge [sflag:s31], $0x1000  }
0x76: {  	[sflag:s31] =	ssyncset.done $0x0  }
0x77: {  	[sflag:s31] =	ssyncadd.s32 $0xFFFFF000  }
0x78: {  	_ =	swait.ge [sflag:s31], $0x1000  }
0x79: {  	[sflag:s31] =	ssyncset.done $0x0  }
0x7a: {  	[sflag:s31] =	ssyncadd.s32 $0xFFFFF000  }
0x7b: {  	_ =	swait.ge [sflag:s31], $0x1000  }
0x7c: {  	[sflag:s31] =	ssyncset.done $0x0  }
0x7d: {  	[sflag:s31] =	ssyncadd.s32 $0xFFFFF000  }
0x7e: {  	s17 =	sand.u32 $0x7F, s17;
	_ =	swait.ge [sflag:s31], $0x1000  }
0x7f: {  	v4 =	vor.u32 s17, v0;
	[sflag:s31] =	ssyncset.done $0x0  }
0x80: {  	s8 =	sand.u32 $0x7F, s8;
	v5 =	vor.u32 s17, v1;
	[sflag:s31] =	ssyncadd.s32 $0xFFFFF000  }
0x81: {  	v6 =	vor.u32 s8, v0;
	_ =	swait.ge [sflag:s31], $0x1000  }
0x82: {  	v7 =	vor.u32 s8, v1;
	s30 =	sand.u32 $0x7F, s18;
	[sflag:s31] =	ssyncset.done $0x0  }
0x83: {  	s24 =	simm.s32 $0x600;
	v8 =	vor.u32 s30, v0;
	[sflag:s31] =	ssyncadd.s32 $0xFFFFF000  }
0x84: {  	s9 =	sand.u32 $0x7F, s9;
	v9 =	vor.u32 s30, v1;
	v4 =	vld.idx.msk [tilespmem:v4+s24+$0x0], $0xffff  }
0x85: {  	v10 =	vor.u32 s9, v0;
	s25 =	simm.s32 $0x8600;
	v5 =	vld.idx.msk [tilespmem:v5+s24+$0x0], $0xffff  }
0x86: {  	v11 =	vor.u32 s9, v1;
	s17 =	sand.u32 $0x7F, s19;
	v6 =	vld.idx.msk [tilespmem:v6+s25+$0x0], $0xffff  }
0x87: {  	v12 =	vor.u32 s17, v0;
	s18 =	simm.s32 $0x1600;
	v7 =	vld.idx.msk [tilespmem:v7+s25+$0x0], $0xffff  }
0x88: {  	v13 =	vor.u32 s17, v1;
	s19 =	sand.u32 $0x7F, s13;
	s23 =	simm.s32 $0x1600;
	v8 =	vld.idx.msk [tilespmem:v8+s18+$0x0], $0xffff  }
0x89: {  	v14 =	vor.u32 s19, v0;
	s30 =	simm.s32 $0x9600;
	v9 =	vld.idx.msk [tilespmem:v9+s23+$0x0], $0xffff  }
0x8a: {  	s17 =	simm.s32 $0x9600;
	v15 =	vor.u32 s19, v1;
	s13 =	sand.u32 $0x7F, s20;
	v10 =	vld.idx.msk [tilespmem:v10+s30+$0x0], $0xffff  }
0x8b: {  	v17 =	vor.u32 s13, v1;
	s20 =	sand.u32 $0x7F, s21;
	s29 =	simm.s32 $0x2600;
	v11 =	vld.idx.msk [tilespmem:v11+s17+$0x0], $0xffff  }
0x8c: {  	v20 =	vor.u32 s20, v0;
	v12 =	vld.idx.msk [tilespmem:v12+s29+$0x0], $0xffff  }
0x8d: {  	s19 =	simm.s32 $0xA600;
	v21 =	vor.u32 s20, v1;
	s4 =	sand.u32 $0x7F, s4;
	v13 =	vld.idx.msk [tilespmem:v13+s29+$0x0], $0xffff  }
0x8e: {  	s21 =	simm.s32 $0xA600;
	v31 =	vor.u32 s4, v1;
	s0 =	sand.u32 $0x7F, s0;
	v14 =	vld.idx.msk [tilespmem:v14+s19+$0x0], $0xffff  }
0x8f: {  	v16 =	vor.u32 s13, v0;
	s13 =	simm.s32 $0x3600;
	v35 =	vor.u32 s0, v1;
	v15 =	vld.idx.msk [tilespmem:v15+s21+$0x0], $0xffff  }
0x90: {  	s7 =	sand.u32 $0x7F, s7;
	s28 =	simm.s32 $0x4600;
	v17 =	vld.idx.msk [tilespmem:v17+s13+$0x0], $0xffff  }
0x91: {  	v26 =	vor.u32 s7, v0;
	(v2sf) =	vpush v3, $0x8;
	v20 =	vld.idx.msk [tilespmem:v20+s28+$0x0], $0xffff  }
0x92: {  	s20 =	simm.s32 $0xE600;
	v27 =	vor.u32 s7, v1;
	s6 =	sand.u32 $0x7F, s6;
	(v2sf) =	vpush v2, $0x8;
	v21 =	vld.idx.msk [tilespmem:v21+s28+$0x0], $0xffff  }
0x93: {  	v28 =	vor.u32 s6, v0;
	v29 =	vor.u32 s6, v1;
	s6 =	simm.s32 $0xF600;
	(v2sf) =	vpush v3, $0x9;
	v31 =	vld.idx.msk [tilespmem:v31+s20+$0x0], $0xffff  }
0x94: {  	v30 =	vor.u32 s4, v0;
	s23 =	simm.s32 $0x3600;
	v35 =	vld.idx.msk [tilespmem:v35+s6+$0x0], $0xffff  }
0x95: {  	s28 =	simm.s32 $0xD600;
	v16 =	vld.idx.msk [tilespmem:v16+s23+$0x0], $0xffff;
	(v2sf) =	vpush v2, $0x9  }
0x96: {  	v34 =	vor.u32 s0, v0;
	s18 =	sand.u32 $0x7F, s15;
	v26 =	vld.idx.msk [tilespmem:v26+s28+$0x0], $0xffff  }
0x97: {  	s17 =	simm.s32 $0x6600;
	v18 =	vor.u32 s18, v0;
	v27 =	vld.idx.msk [tilespmem:v27+s28+$0x0], $0xffff  }
0x98: {  	s30 =	sand.u32 $0x7F, s16;
	s19 =	simm.s32 $0xE600;
	v19 =	vor.u32 s18, v1;
	v28 =	vld.idx.msk [tilespmem:v28+s17+$0x0], $0xffff  }
0x99: {  	v22 =	vor.u32 s30, v0;
	s18 =	simm.s32 $0x6600;
	v30 =	vld.idx.msk [tilespmem:v30+s19+$0x0], $0xffff;
	(v2sf) =	vpush v3, $0xA  }
0x9a: {  	s16 =	sand.u32 $0x7F, s5;
	v23 =	vor.u32 s30, v1;
	s23 =	simm.s32 $0xF600;
	v29 =	vld.idx.msk [tilespmem:v29+s18+$0x0], $0xffff;
	(v2sf) =	vpush v2, $0xA  }
0x9b: {  	s10 =	simm.s32 $0xB600;
	v32 =	vor.u32 s16, v0;
	v34 =	vld.idx.msk [tilespmem:v34+s23+$0x0], $0xffff  }
0x9c: {  	s15 =	sand.u32 $0x7F, s22;
	v33 =	vor.u32 s16, v1;
	v18 =	vld.idx.msk [tilespmem:v18+s10+$0x0], $0xffff  }
0x9d: {  	s26 =	simm.s32 $0xC600;
	v24 =	vor.u32 s15, v0;
	v19 =	vld.idx.msk [tilespmem:v19+s10+$0x0], $0xffff  }
0x9e: {  	v25 =	vor.u32 s15, v1;
	v22 =	vld.idx.msk [tilespmem:v22+s26+$0x0], $0xffff  }
0x9f: {  	s21 =	simm.s32 $0x7600;
	v23 =	vld.idx.msk [tilespmem:v23+s26+$0x0], $0xffff  }
0xa0: {  	s22 =	simm.s32 $0x7600;
	v32 =	vld.idx.msk [tilespmem:v32+s21+$0x0], $0xffff;
	s5 =	spop (v2sf);
	(v2sf) =	vpush v3, $0xB  }
0xa1: {  	s26 =	simm.s32 $0x5600;
	v33 =	vld.idx.msk [tilespmem:v33+s22+$0x0], $0xffff;
	s30 =	sand.u32 $0xFFFFF80, s5;
	s6 =	spop (v2sf)  }
0xa2: {  	v24 =	vld.idx.msk [tilespmem:v24+s26+$0x0], $0xffff;
	(v2sf) =	vpush v2, $0xB;
	s0 =	sadd.s32 s1, s30;
	s7 =	sand.u32 $0xFFFFF80, s6;
	s9 =	spop (v2sf)  }
0xa3: {  	v25 =	vld.idx.msk [tilespmem:v25+s26+$0x0], $0xffff;
	[tilespmem:s24], [sflag:$0x1] =	stream.strided.gather [hbm4b:s0+s11], $0x1000, s12, s11, $0x38  }
0xa4: {  	(v2sf) =	vpush v3, $0xC;
	s0 =	sadd.s32 s2, s7;
	s8 =	sand.u32 $0xFFFFF80, s9;
	s7 =	spop (v2sf)  }
0xa5: {  	(v2sf) =	vpush v2, $0xC;
	[tilespmem:s25], [sflag:$0x1] =	stream.strided.gather [hbm4b:s0+s11], $0x1000, s14, s11, $0x38;
	[tilespmem:$0x10600] =	vst v63  }
0xa6: {  	s10 =	simm.s32 $0x1600;
	s0 =	sadd.s32 s1, s8  }
0xa7: {  	[tilespmem:s10], [sflag:$0x1] =	stream.strided.gather [hbm4b:s0+s11], $0x1000, s12, s11, $0x38;
	[tilespmem:$0x10600] =	vst v63  }
0xa8: {  	s16 =	simm.s32 $0x9600;
	s13 =	sand.u32 $0xFFFFF80, s7;
	s0 =	spop (v2sf)  }
0xa9: {  	s15 =	sadd.s32 s2, s13;
	(v2sf) =	vpush v3, $0xD;
	s17 =	sand.u32 $0xFFFFF80, s0;
	s8 =	spop (v2sf)  }
0xaa: {  	[tilespmem:s16], [sflag:$0x1] =	stream.strided.gather [hbm4b:s15+s11], $0x1000, s14, s11, $0x38;
	[tilespmem:$0x10600] =	vst v63  }
0xab: {  	s4 =	sadd.s32 s1, s17;
	s18 =	sand.u32 $0xFFFFF80, s8  }
0xac: {  	[tilespmem:s29], [sflag:$0x1] =	stream.strided.gather [hbm4b:s4+s11], $0x1000, s12, s11, $0x38;
	[tilespmem:$0x10600] =	vst v63  }
0xad: {  	s19 =	simm.s32 $0xA600;
	s4 =	sadd.s32 s2, s18  }
0xae: {  	[tilespmem:s19], [sflag:$0x1] =	stream.strided.gather [hbm4b:s4+s11], $0x1000, s14, s11, $0x38;
	[tilespmem:$0x10600] =	vst v63  }
0xaf: {  	s13 =	spop (v2sf);
	(v2sf) =	vpush v2, $0xD  }
0xb0: {  	v4 =	vmul.f32 v6, v4;
	v5 =	vmul.f32 v7, v5;
	s20 =	sand.u32 $0xFFFFF80, s13  }
0xb1: {  	s21 =	simm.s32 $0x3600;
	s4 =	spop (v2sf);
	(v2sf) =	vpush v3, $0xE;
	s15 =	sadd.s32 s1, s20  }
0xb2: {  	v10 =	vmul.f32 v10, v8;
	v11 =	vmul.f32 v11, v9;
	v4 =	vadd.f32 v5, v4;
	[tilespmem:s21], [sflag:$0x1] =	stream.strided.gather [hbm4b:s15+s11], $0x1000, s12, s11, $0x38;
	[tilespmem:$0x10600] =	vst v63  }
0xb3: {  	s24 =	simm.s32 $0xB600;
	s22 =	sand.u32 $0xFFFFF80, s4;
	s15 =	spop (v2sf);
	(v2sf) =	vpush v2, $0xE  }
0xb4: {  	(xrf2) =	vadd.scan.msk.f32 $0xffff, v4;
	s23 =	sadd.s32 s2, s22;
	s30 =	sand.u32 $0xFFFFF80, s15;
	s16 =	spop (v2sf);
	(v2sf) =	vpush v3, $0xF;
	v3 =	vadd.f32 v11, v10  }
0xb5: {  	v14 =	vmul.f32 v14, v12;
	v15 =	vmul.f32 v15, v13;
	[tilespmem:s24], [sflag:$0x1] =	stream.strided.gather [hbm4b:s23+s11], $0x1000, s14, s11, $0x38;
	[tilespmem:$0x10600] =	vst v63  }
0xb6: {  	s10 =	simm.s32 $0x4600;
	s17 =	sadd.s32 s1, s30;
	(xrf2) =	vadd.scan.msk.f32 $0xffff, v3  }
0xb7: {  	v18 =	vmul.f32 v18, v16;
	v19 =	vmul.f32 v19, v17;
	v3 =	vadd.f32 v15, v14;
	[tilespmem:s10], [sflag:$0x1] =	stream.strided.gather [hbm4b:s17+s11], $0x1000, s12, s11, $0x38;
	[tilespmem:$0x10600] =	vst v63  }
0xb8: {  	v22 =	vmul.f32 v22, v20;
	s18 =	sand.u32 $0xFFFFF80, s16;
	s17 =	spop (v2sf)  }
0xb9: {  	v23 =	vmul.f32 v23, v21;
	s25 =	simm.s32 $0xC600;
	s19 =	sadd.s32 s2, s18;
	(v2sf) =	vpush v2, $0xF;
	v2 =	vadd.f32 v19, v18;
	(xrf2) =	vadd.scan.msk.f32 $0xffff, v3;
	s20 =	sand.u32 $0xFFFFF80, s17  }
0xba: {  	v27 =	vmul.f32 v27, v25;
	v3 =	vmul.f32 v26, v24;
	[tilespmem:s25], [sflag:$0x1] =	stream.strided.gather [hbm4b:s19+s11], $0x1000, s14, s11, $0x38;
	[tilespmem:$0x10600] =	vst v63  }
0xbb: {  	(xrf2) =	vadd.scan.msk.f32 $0xffff, v2;
	v2 =	vadd.f32 v23, v22;
	s19 =	sadd.s32 s1, s20  }
0xbc: {  	v28 =	vmul.f32 v30, v28;
	v29 =	vmul.f32 v31, v29;
	v3 =	vadd.f32 v27, v3;
	[tilespmem:s26], [sflag:$0x1] =	stream.strided.gather [hbm4b:s19+s11], $0x1000, s12, s11, $0x38;
	[tilespmem:$0x10600] =	vst v63  }
0xbd: {  	(xrf2) =	vadd.scan.msk.f32 $0xffff, v2  }
0xbe: {  	v30 =	vmul.f32 v35, v33;
	v2 =	vmul.f32 v34, v32;
	(xrf2) =	vadd.scan.msk.f32 $0xffff, v3;
	v3 =	vadd.f32 v29, v28;
	s18 =	spop (v2sf)  }
0xbf: {  	s21 =	sand.u32 $0xFFFFF80, s18  }
0xc0: {  	v2 =	vadd.f32 v30, v2;
	(xrf2) =	vadd.scan.msk.f32 $0xffff, v3;
	s19 =	spop (v2sf);
	s20 =	sadd.s32 s2, s21  }
0xc1: {  	[tilespmem:s28], [sflag:$0x1] =	stream.strided.gather [hbm4b:s20+s11], $0x1000, s14, s11, $0x38;
	[tilespmem:$0x10600] =	vst v63  }
0xc2: {  	(xrf2) =	vadd.scan.msk.f32 $0xffff, v2;
	s22 =	sand.u32 $0xFFFFF80, s19;
	s20 =	spop (v2sf)  }
0xc3: {  	s29 =	simm.s32 $0x6600;
	s21 =	sadd.s32 s1, s22;
	s23 =	sand.u32 $0xFFFFF80, s20  }
0xc4: {  	[tilespmem:s29], [sflag:$0x1] =	stream.strided.gather [hbm4b:s21+s11], $0x1000, s12, s11, $0x38;
	[tilespmem:$0x10600] =	vst v63  }
0xc5: {  	v7, _, _ =	vpop (xrf2);
	s30 =	simm.s32 $0xE600;
	s21 =	spop (v2sf);
	s22 =	sadd.s32 s2, s23  }
0xc6: {  	v9, _, _ =	vpop (xrf2);
	[tilespmem:s30], [sflag:$0x1] =	stream.strided.gather [hbm4b:s22+s11], $0x1000, s14, s11, $0x38;
	[tilespmem:$0x10600] =	vst v63  }
0xc7: {  	v8, _, _ =	vpop (xrf2);
	s30 =	sand.u32 $0xFFFFF80, s21  }
0xc8: {  	v3, _, _ =	vpop (xrf2);
	s22 =	spop (v2sf);
	s23 =	sadd.s32 s1, s30;
	s30 =	simm.s32 $0x7600  }
0xc9: {  	v4, _, _ =	vpop (xrf2);
	[tilespmem:s30], [sflag:$0x1] =	stream.strided.gather [hbm4b:s23+s11], $0x1000, s12, s11, $0x38;
	[tilespmem:$0x10600] =	vst v63  }
0xca: {  	v5, _, _ =	vpop (xrf2);
	s30 =	sand.u32 $0xFFFFF80, s22  }
0xcb: {  	v6, _, _ =	vpop (xrf2);
	s23 =	sadd.s32 s2, s30;
	s30 =	simm.s32 $0xF600  }
0xcc: {  	v2, _, _ =	vpop (xrf2);
	[tilespmem:s30], [sflag:$0x1] =	stream.strided.gather [hbm4b:s23+s11], $0x1000, s14, s11, $0x38;
	[tilespmem:$0x10600] =	vst v63  }
0xcd: {  	_ =	swait.ge [sflag:s31], $0x1000  }
0xce: {  	[sflag:s31] =	ssyncset.done $0x0  }
0xcf: {  	[sflag:s31] =	ssyncadd.s32 $0xFFFFF000  }
0xd0: {  	_ =	swait.ge [sflag:s31], $0x1000  }
0xd1: {  	[sflag:s31] =	ssyncset.done $0x0  }
0xd2: {  	[sflag:s31] =	ssyncadd.s32 $0xFFFFF000  }
0xd3: {  	_ =	swait.ge [sflag:s31], $0x1000  }
0xd4: {  	[sflag:s31] =	ssyncset.done $0x0  }
0xd5: {  	[sflag:s31] =	ssyncadd.s32 $0xFFFFF000  }
0xd6: {  	_ =	swait.ge [sflag:s31], $0x1000  }
0xd7: {  	[sflag:s31] =	ssyncset.done $0x0  }
0xd8: {  	[sflag:s31] =	ssyncadd.s32 $0xFFFFF000  }
0xd9: {  	_ =	swait.ge [sflag:s31], $0x1000  }
0xda: {  	[sflag:s31] =	ssyncset.done $0x0  }
0xdb: {  	[sflag:s31] =	ssyncadd.s32 $0xFFFFF000  }
0xdc: {  	_ =	swait.ge [sflag:s31], $0x1000  }
0xdd: {  	[sflag:s31] =	ssyncset.done $0x0  }
0xde: {  	[sflag:s31] =	ssyncadd.s32 $0xFFFFF000  }
0xdf: {  	_ =	swait.ge [sflag:s31], $0x1000  }
0xe0: {  	[sflag:s31] =	ssyncset.done $0x0  }
0xe1: {  	[sflag:s31] =	ssyncadd.s32 $0xFFFFF000  }
0xe2: {  	_ =	swait.ge [sflag:s31], $0x1000  }
0xe3: {  	[sflag:s31] =	ssyncset.done $0x0  }
0xe4: {  	[sflag:s31] =	ssyncadd.s32 $0xFFFFF000  }
0xe5: {  	_ =	swait.ge [sflag:s31], $0x1000  }
0xe6: {  	[sflag:s31] =	ssyncset.done $0x0  }
0xe7: {  	[sflag:s31] =	ssyncadd.s32 $0xFFFFF000  }
0xe8: {  	_ =	swait.ge [sflag:s31], $0x1000  }
0xe9: {  	[sflag:s31] =	ssyncset.done $0x0  }
0xea: {  	[sflag:s31] =	ssyncadd.s32 $0xFFFFF000  }
0xeb: {  	_ =	swait.ge [sflag:s31], $0x1000  }
0xec: {  	[sflag:s31] =	ssyncset.done $0x0  }
0xed: {  	[sflag:s31] =	ssyncadd.s32 $0xFFFFF000  }
0xee: {  	_ =	swait.ge [sflag:s31], $0x1000  }
0xef: {  	[sflag:s31] =	ssyncset.done $0x0  }
0xf0: {  	[sflag:s31] =	ssyncadd.s32 $0xFFFFF000  }
0xf1: {  	_ =	swait.ge [sflag:s31], $0x1000  }
0xf2: {  	[sflag:s31] =	ssyncset.done $0x0  }
0xf3: {  	[sflag:s31] =	ssyncadd.s32 $0xFFFFF000  }
0xf4: {  	_ =	swait.ge [sflag:s31], $0x1000  }
0xf5: {  	[sflag:s31] =	ssyncset.done $0x0  }
0xf6: {  	[sflag:s31] =	ssyncadd.s32 $0xFFFFF000  }
0xf7: {  	s5 =	sand.u32 $0x7F, s5;
	_ =	swait.ge [sflag:s31], $0x1000  }
0xf8: {  	v31 =	vor.u32 s5, v0;
	[sflag:s31] =	ssyncset.done $0x0  }
0xf9: {  	v32 =	vor.u32 s5, v1;
	s30 =	sand.u32 $0x7F, s6;
	[sflag:s31] =	ssyncadd.s32 $0xFFFFF000  }
0xfa: {  	v33 =	vor.u32 s30, v0;
	_ =	swait.ge [sflag:s31], $0x1000  }
0xfb: {  	v34 =	vor.u32 s30, v1;
	s30 =	sand.u32 $0x7F, s9;
	[sflag:s31] =	ssyncset.done $0x0  }
0xfc: {  	s6 =	simm.s32 $0x600;
	v35 =	vor.u32 s30, v0;
	[sflag:s31] =	ssyncadd.s32 $0xFFFFF000  }
0xfd: {  	s9 =	sand.u32 $0x7F, s7;
	v36 =	vor.u32 s30, v1;
	v10 =	vld.idx.msk [tilespmem:v31+s6+$0x0], $0xffff  }
0xfe: {  	s5 =	simm.s32 $0x8600;
	v37 =	vor.u32 s9, v0;
	v11 =	vld.idx.msk [tilespmem:v32+s6+$0x0], $0xffff  }
0xff: {  	s0 =	sand.u32 $0x7F, s0;
	v38 =	vor.u32 s9, v1;
	v12 =	vld.idx.msk [tilespmem:v33+s5+$0x0], $0xffff  }
0x100: {  	v39 =	vor.u32 s0, v0;
	s7 =	simm.s32 $0x1600;
	v13 =	vld.idx.msk [tilespmem:v34+s5+$0x0], $0xffff  }
0x101: {  	v40 =	vor.u32 s0, v1;
	s30 =	sand.u32 $0x7F, s8;
	v14 =	vld.idx.msk [tilespmem:v35+s7+$0x0], $0xffff  }
0x102: {  	s9 =	simm.s32 $0x9600;
	v41 =	vor.u32 s30, v0;
	v15 =	vld.idx.msk [tilespmem:v36+s7+$0x0], $0xffff  }
0x103: {  	v42 =	vor.u32 s30, v1;
	s30 =	sand.u32 $0x7F, s13;
	s13 =	simm.s32 $0x9600;
	v16 =	vld.idx.msk [tilespmem:v37+s9+$0x0], $0xffff  }
0x104: {  	s23 =	simm.s32 $0x2600;
	v44 =	vor.u32 s30, v1;
	v17 =	vld.idx.msk [tilespmem:v38+s13+$0x0], $0xffff  }
0x105: {  	v43 =	vor.u32 s30, v0;
	v18 =	vld.idx.msk [tilespmem:v39+s23+$0x0], $0xffff;
	s9 =	sand.u32 $0x7F, s4  }
0x106: {  	s30 =	simm.s32 $0xA600;
	v19 =	vld.idx.msk [tilespmem:v40+s23+$0x0], $0xffff;
	v45 =	vor.u32 s9, v0  }
0x107: {  	v20 =	vld.idx.msk [tilespmem:v41+s30+$0x0], $0xffff;
	s4 =	sand.u32 $0x7F, s15;
	s15 =	simm.s32 $0xA600;
	v46 =	vor.u32 s9, v1  }
0x108: {  	s30 =	sand.u32 $0x7F, s16;
	s16 =	simm.s32 $0x3600;
	v21 =	vld.idx.msk [tilespmem:v42+s15+$0x0], $0xffff;
	v47 =	vor.u32 s4, v0  }
0x109: {  	v48 =	vor.u32 s4, v1;
	s9 =	simm.s32 $0x3600;
	v23 =	vld.idx.msk [tilespmem:v44+s16+$0x0], $0xffff  }
0x10a: {  	v49 =	vor.u32 s30, v0;
	v22 =	vld.idx.msk [tilespmem:v43+s9+$0x0], $0xffff  }
0x10b: {  	v50 =	vor.u32 s30, v1;
	s4 =	sand.u32 $0x7F, s17;
	v24 =	vld.idx.msk [tilespmem:v45+s24+$0x0], $0xffff  }
0x10c: {  	v51 =	vor.u32 s4, v0;
	v25 =	vld.idx.msk [tilespmem:v46+s24+$0x0], $0xffff  }
0x10d: {  	s17 =	sand.u32 $0x7F, s19;
	v52 =	vor.u32 s4, v1;
	v26 =	vld.idx.msk [tilespmem:v47+s10+$0x0], $0xffff  }
0x10e: {  	v55 =	vor.u32 s17, v0;
	v27 =	vld.idx.msk [tilespmem:v48+s10+$0x0], $0xffff  }
0x10f: {  	s19 =	sand.u32 $0x7F, s21;
	v56 =	vor.u32 s17, v1;
	v28 =	vld.idx.msk [tilespmem:v49+s25+$0x0], $0xffff  }
0x110: {  	s9 =	sand.u32 $0x7F, s18;
	v38 =	vor.u32 s19, v0;
	v29 =	vld.idx.msk [tilespmem:v50+s25+$0x0], $0xffff  }
0x111: {  	v53 =	vor.u32 s9, v0;
	v30 =	vld.idx.msk [tilespmem:v51+s26+$0x0], $0xffff  }
0x112: {  	s18 =	sand.u32 $0x7F, s20;
	v54 =	vor.u32 s9, v1;
	v31 =	vld.idx.msk [tilespmem:v52+s26+$0x0], $0xffff  }
0x113: {  	v36 =	vor.u32 s18, v0;
	v34 =	vld.idx.msk [tilespmem:v55+s29+$0x0], $0xffff  }
0x114: {  	s20 =	sand.u32 $0x7F, s22;
	s22 =	simm.s32 $0x7600;
	v37 =	vor.u32 s18, v1;
	v57 =	vld.idx.msk [tilespmem:v56+s29+$0x0], $0xffff  }
0x115: {  	v39 =	vor.u32 s20, v0;
	v61 =	vld.idx.msk [tilespmem:v38+s22+$0x0], $0xffff  }
0x116: {  	v40 =	vor.u32 s19, v1;
	v32 =	vld.idx.msk [tilespmem:v53+s28+$0x0], $0xffff  }
0x117: {  	s8 =	simm.s32 $0xE600;
	v58 =	vor.u32 s20, v1;
	v33 =	vld.idx.msk [tilespmem:v54+s28+$0x0], $0xffff  }
0x118: {  	v59 =	vld.idx.msk [tilespmem:v36+s8+$0x0], $0xffff  }
0x119: {  	s21 =	simm.s32 $0xF600;
	v10 =	vmul.f32 v12, v10;
	v11 =	vmul.f32 v13, v11;
	v60 =	vld.idx.msk [tilespmem:v37+s8+$0x0], $0xffff  }
0x11a: {  	v14 =	vmul.f32 v16, v14;
	v15 =	vmul.f32 v17, v15;
	v36 =	vld.idx.msk [tilespmem:v39+s21+$0x0], $0xffff  }
0x11b: {  	v62 =	vmul.f32 v20, v18;
	v63 =	vmul.f32 v21, v19;
	v10 =	vadd.f32 v11, v10;
	v39 =	vld.idx.msk [tilespmem:v40+s22+$0x0], $0xffff  }
0x11c: {  	v14 =	vadd.f32 v15, v14;
	v13 =	vld.idx.msk [tilespmem:v58+s21+$0x0], $0xffff;
	v37 =	vmul.f32 v24, v22;
	v38 =	vmul.f32 v25, v23  }
0x11d: {  	(xrf2) =	vadd.scan.msk.f32 $0xffff, v10;
	v10 =	vadd.f32 v63, v62;
	v40 =	vmul.f32 v28, v26;
	v41 =	vmul.f32 v29, v27  }
0x11e: {  	(xrf2) =	vadd.scan.msk.f32 $0xffff, v14;
	v42 =	vadd.f32 v38, v37;
	v43 =	vmul.f32 v32, v30;
	v44 =	vmul.f32 v33, v31  }
0x11f: {  	(xrf2) =	vadd.scan.msk.f32 $0xffff, v10;
	v45 =	vadd.f32 v41, v40  }
0x120: {  	v46 =	vmul.f32 v59, v34;
	v11 =	vmul.f32 v60, v57;
	(xrf2) =	vadd.scan.msk.f32 $0xffff, v42;
	v47 =	vadd.f32 v44, v43  }
0x121: {  	v7 =	vbroadcast v7, $0xF;
	v9 =	vbroadcast v9, $0xF;
	(xrf2) =	vadd.scan.msk.f32 $0xffff, v45  }
0x122: {  	v8 =	vbroadcast v8, $0xF;
	v3 =	vbroadcast v3, $0xF;
	v49 =	vadd.f32 v11, v46;
	(xrf2) =	vadd.scan.msk.f32 $0xffff, v47  }
0x123: {  	v7 =	vsel vm0, v7, v9;
	v48 =	vmul.f32 v36, v61;
	v50 =	vmul.f32 v13, v39  }
0x124: {  	v7 =	vsel vm1, v7, v8;
	v4 =	vbroadcast v4, $0xF;
	(xrf2) =	vadd.scan.msk.f32 $0xffff, v49  }
0x125: {  	v3 =	vsel vm2, v7, v3;
	v5 =	vbroadcast v5, $0xF;
	v51 =	vadd.f32 v50, v48  }
0x126: {  	v3 =	vsel vm3, v3, v4;
	v52 =	vbroadcast v6, $0xF  }
0x127: {  	v3 =	vsel vm4, v3, v5;
	v2 =	vbroadcast v2, $0xF;
	(xrf2) =	vadd.scan.msk.f32 $0xffff, v51;
	v53, _, _ =	vpop (xrf2)  }
0x128: {  	v3 =	vsel vm5, v3, v52;
	v54, _, _ =	vpop (xrf2);
	v55 =	vbroadcast v53, $0xF  }
0x129: {  	v2 =	vsel vm6, v3, v2;
	v56, _, _ =	vpop (xrf2);
	v3 =	vbroadcast v54, $0xF  }
0x12a: {  	v2 =	vsel vm7, v2, v55;
	v58 =	vbroadcast v56, $0xF;
	v57, _, _ =	vpop (xrf2)  }
0x12b: {  	v2 =	vsel vm8, v2, v3;
	v59, _, _ =	vpop (xrf2);
	v3 =	vbroadcast v57, $0xF  }
0x12c: {  	v2 =	vsel vm9, v2, v58;
	v60, _, _ =	vpop (xrf2)  }
0x12d: {  	v61 =	vbroadcast v59, $0xF;
	v2 =	vsel vm10, v2, v3;
	v3 =	vbroadcast v60, $0xF  }
0x12e: {  	p0 =	sne.s32 s3, $0x7C0;
	v62, _, _ =	vpop (xrf2)  }
.Ltmp0:
0x12f: {  	v2 =	vsel vm11, v2, v61;
	v63 =	vbroadcast v62, $0xF;
	(pc) =	sbr.rel @p0 .LBB2_2-.Ltmp0, $4  }
0x130: {  	v2 =	vsel vm12, v2, v3  }
0x131: {  	v2 =	vsel vm13, v2, v63;
	v3, _, _ =	vpop (xrf2)  }
0x132: {  	s30 =	rddreg [dreg:$0xb];
	v2 =	vsel vm14, v2, v3  }
0x133: {  	s3 =	sadd.s32 $0x40, s3;
	[tilespmem:s30+$0x400] =	vst v2  }
0x134: {  	s9 =	simm.s32 $0x0;
	s0 =	rddreg [dreg:$0x8];
	s3 =	simm.s32 $0x2  }
0x135: {  	[hbm4b:s0+s9] =	stream.linear.scatter [tilespmem:s11], [sflag:$0x2], $0x200, $0x38;
	[tilespmem:$0x10600] =	vst v63  }
0x136: {  	_ =	swait.ge [sflag:s3], $0x200  }
0x137: {  	s4 =	rddreg [dreg:$0xa]  }
0x138: {  	s30 =	rddreg [dreg:$0x9];
	s4 =	sadd.s32 $0x1, s4  }
0x139: {  	p0 =	sne.s32 s4, s30  }
.Ltmp1:
0x13a: {  	_ = 	snop;
	(pc) =	sbr.rel @p0 .LBB2_1-.Ltmp1, $3  }
0x13b: {  	_ =	sdelay $0x1  }
0x13c: {  	[sflag:s3] =	ssyncset.done $0x0  }
0x13d: {  	[sflag:s3] =	ssyncadd.s32 $0xFFFFFE00  }
0x13e: {  	_ =	sfence.sel $0x180000  }
0x13f: {  	[bflag:$0x0] =	sbarrier.arrive $0xFFFF  }
0x140: {  	_ =	strace $0x90000047  }
0x141: {  	s0 =	stileid.u32;
	[bflag:$0x2] =	sbarrier.arrive $0xFFFF  }
0x142: {  	p0 =	sne.s32 s0, $0x0;
	s0 =	rddreg [dreg:$0x5]  }
0x143: {  	s0 =	sadd.s32 @!p0 $0x100000, s0  }
0x144: {  	[sflag:s0] =	ssyncadd.tile.s32 @!p0 $0x1;
	_ =	shalt  }
.Lfunc_end2:
_tile_overlayer_lowered:
.L_overlay_start_2:
0x145: {  	(tag) =	ssettag $0x2  }
0x146: {  	s0 =	rddreg [dreg:$0x0];
	s2 =	stileid.u32  }
0x147: {  	s1 =	rddreg [dreg:$0x1];
	p0 =	sne.s32 s2, $0x0  }
0x148: {  	s3 =	rddreg [dreg:$0x2];
	[bflag:$0x3] =	sbarrier.arrive $0xFFFF;
	s2 =	simm.s32 @!p0 $0x1C02  }
0x149: {  	[timem:s3], [sflag:s2] =	dma.local @!p0 [hbm:s0], s1  }
0x14a: {  	s0 =	simm.s32 @!p0 $0x2  }
0x14b: {  	_ =	swait.ge @!p0 [sflag:s0], s1  }
0x14c: {  	s1 =	ssub.s32 @!p0 $0x0, s1;
	[sflag:s0] =	ssyncset.done @!p0 $0x0  }
0x14d: {  	[sflag:s0] =	ssyncadd.s32 @!p0 s1  }
0x14e: {  	[bflag:$0x3] =	sbarrier.arrive $0xFFFF  }
0x14f: {  	_ =	shalt  }

</sc_bundles>
